<compile_context>
chip_gen: v7x
topology: tpu7x:2x2x1
jax: 0.10.2.dev20260603
libtpu: 0.0.44.dev20260713+nightly
codegen_flags: <defaults>
</compile_context>

<pallas_src>
import functools

import jax
import jax.numpy as jnp
from jax import lax
from jax.experimental import pallas as pl
from jax.experimental.pallas import tpu as pltpu
from jax.experimental.pallas import tpu_sc as plsc

_N = 10000
_NP = 10112
_E = 320000
_D = 128
_NC = 2
_NS = 16
_NT = _NC * _NS
_ROWS_PER_TILE = _NP // _NS
_KP = 128
_NCHT = _E // _KP
_NCH0 = _NCHT // _NT
_NXT = _NCHT - _NCH0 * _NT
_NBUF = 3
_STEPS = _NCH0 + 1 + 3
_NGRP = (_STEPS + _NBUF - 1) // _NBUF


def _scale_body(x_ref, d_ref, o_ref):
    dcol = jnp.transpose(d_ref[...], (1, 0))
    o_ref[...] = x_ref[...] * dcol


def _combine_body(s_ref, p0_ref, p1_ref, d_ref, h0_ref, w_ref, o_ref):
    theta = s_ref[0]
    alpha = s_ref[1]
    agg = p0_ref[0] + p1_ref[0]
    dcol = jnp.transpose(d_ref[...], (1, 0))
    support = (1.0 - alpha) * (agg * dcol) + alpha * h0_ref[...]
    o_ref[...] = theta * jnp.dot(
        support, w_ref[...], preferred_element_type=jnp.float32
    ) + (1.0 - theta) * support


def _sc_segment_sum_body(h_hbm, ei_hbm, out_hbm,
                         is0, is1, is2,
                         r0, r1, r2, agg_sh,
                         q0, q1, q2, g0, g1, g2):
    c = lax.axis_index("c")
    s = lax.axis_index("s")
    wid = c * _NS + s
    ibs = (is0, is1, is2)
    rows = (r0, r1, r2)
    isem = (q0, q1, q2)
    gsem = (g0, g1, g2)

    def _zero_row(i, carry):
        for j in range(_D // 16):
            r0[i, pl.ds(j * 16, 16)] = jnp.zeros((16,), jnp.float32)
        return carry

    lax.fori_loop(0, _KP, _zero_row, 0)
    row0 = s * _ROWS_PER_TILE
    nfull = _ROWS_PER_TILE // _KP
    for i in range(nfull):
        pltpu.sync_copy(r0, agg_sh.at[pl.ds(row0 + i * _KP, _KP), :])
    rem = _ROWS_PER_TILE - nfull * _KP
    if rem:
        pltpu.sync_copy(r0.at[pl.ds(0, rem), :],
                        agg_sh.at[pl.ds(row0 + nfull * _KP, rem), :])
    plsc.subcore_barrier()

    nch = jnp.where(wid < _NXT, _NCH0 + 1, _NCH0)
    cb = wid * _NCH0 + jnp.minimum(wid, _NXT)

    def _group(g, carry):
        for b in range(_NBUF):
            step = g * _NBUF + b
            bp = (b + 2) % _NBUF

            @pl.when(jnp.logical_and(step >= 3, step < nch + 3))
            def _():
                pltpu.make_async_copy(
                    h_hbm.at[ibs[b].at[0]], rows[b], gsem[b]).wait()
                pltpu.sync_copy(rows[b], agg_sh.at[ibs[b].at[1]], add=True)

            @pl.when(step < nch)
            def _():
                off = pl.multiple_of((cb + step) * _KP, 128)
                pltpu.async_copy(ei_hbm.at[:, pl.ds(off, _KP)], ibs[b], isem[b])

            @pl.when(jnp.logical_and(step >= 1, step < nch + 1))
            def _():
                off = pl.multiple_of((cb + step - 1) * _KP, 128)
                pltpu.make_async_copy(
                    ei_hbm.at[:, pl.ds(off, _KP)], ibs[bp], isem[bp]).wait()
                pltpu.async_copy(h_hbm.at[ibs[bp].at[0]], rows[bp], gsem[bp])
        return carry

    lax.fori_loop(0, _NGRP, _group, 0)
    plsc.subcore_barrier()

    o0 = pl.multiple_of(c * _NP + row0, 8)
    pltpu.sync_copy(agg_sh.at[pl.ds(row0, _ROWS_PER_TILE), :],
                    out_hbm.at[pl.ds(o0, _ROWS_PER_TILE), :])


_sc_segment_sum = functools.partial(
    pl.kernel,
    out_type=jax.ShapeDtypeStruct((_NC * _NP, _D), jnp.float32),
    mesh=plsc.VectorSubcoreMesh(
        core_axis_name="c", subcore_axis_name="s",
        num_cores=_NC, num_subcores=_NS),
    scratch_types=[
        pltpu.VMEM((2, _KP), jnp.int32),
        pltpu.VMEM((2, _KP), jnp.int32),
        pltpu.VMEM((2, _KP), jnp.int32),
        pltpu.VMEM((_KP, _D), jnp.float32),
        pltpu.VMEM((_KP, _D), jnp.float32),
        pltpu.VMEM((_KP, _D), jnp.float32),
        pltpu.VMEM_SHARED((_NP, _D), jnp.float32),
        pltpu.SemaphoreType.DMA,
        pltpu.SemaphoreType.DMA,
        pltpu.SemaphoreType.DMA,
        pltpu.SemaphoreType.DMA,
        pltpu.SemaphoreType.DMA,
        pltpu.SemaphoreType.DMA,
    ],
)(_sc_segment_sum_body)


def kernel(in_feat, edge_index, d, h0, W, lamda, alpha, l):
    ei = edge_index.astype(jnp.int32)
    dr = d[None, :]
    theta = jnp.log(lamda / l + 1.0)
    scals = jnp.stack([theta, alpha]).astype(jnp.float32)

    h = pl.pallas_call(
        _scale_body,
        grid=(1,),
        in_specs=[
            pl.BlockSpec((_N, _D), lambda i: (0, 0)),
            pl.BlockSpec((1, _N), lambda i: (0, 0)),
        ],
        out_specs=pl.BlockSpec((_N, _D), lambda i: (0, 0)),
        out_shape=jax.ShapeDtypeStruct((_N, _D), jnp.float32),
    )(in_feat, dr)

    partials = _sc_segment_sum(h, ei).reshape(_NC, _NP, _D)

    out = pl.pallas_call(
        _combine_body,
        grid=(1,),
        in_specs=[
            pl.BlockSpec(memory_space=pltpu.SMEM),
            pl.BlockSpec((1, _N, _D), lambda i: (0, 0, 0)),
            pl.BlockSpec((1, _N, _D), lambda i: (1, 0, 0)),
            pl.BlockSpec((1, _N), lambda i: (0, 0)),
            pl.BlockSpec((_N, _D), lambda i: (0, 0)),
            pl.BlockSpec((_D, _D), lambda i: (0, 0)),
        ],
        out_specs=pl.BlockSpec((_N, _D), lambda i: (0, 0)),
        out_shape=jax.ShapeDtypeStruct((_N, _D), jnp.float32),
    )(scals, partials, partials, dr, h0, W)
    return out

# --- scband reference (transcript-rebuilt; emitter-appended) ---
"""Pipeline reference for scband-gc2-4037269258320 (READ-ONLY COPY).

The authoritative reference and input builder live on the scoring server;
editing this copy changes nothing except your own understanding.
"""

import jax, jax.numpy as jnp
import numpy as np
import math

N_NODES = 10000
N_EDGES = 320000
D_FEAT = 128

def setup_inputs(seed: int = 0) -> dict:
    key = jax.random.key(seed)
    k1, k2, k3, k4, k5 = jax.random.split(key, 5)
    in_feat = jax.random.normal(k1, (N_NODES, D_FEAT), dtype=jnp.float32)
    edge_index = jax.random.randint(k2, (2, N_EDGES), 0, N_NODES, dtype=jnp.int64)
    # symmetric-normalization degree factors d = deg^{-1/2}, positive values in (0,1]
    d = jax.random.uniform(k3, (N_NODES,), dtype=jnp.float32, minval=0.05, maxval=1.0)
    h0 = jax.random.normal(k4, (N_NODES, D_FEAT), dtype=jnp.float32)
    # learned weight: uniform(-stdv, stdv) with stdv = 1/sqrt(out_features)
    stdv = 1.0 / math.sqrt(D_FEAT)
    W = jax.random.uniform(k5, (D_FEAT, D_FEAT), dtype=jnp.float32, minval=-stdv, maxval=stdv)
    return {"in_feat": in_feat, "edge_index": edge_index, "d": d, "h0": h0, "W": W,
            "lamda": 0.5, "alpha": 0.1, "l": 2}

def reference(in_feat, edge_index, d, h0, W, lamda, alpha, l):
    # GC2 (GCNII layer, variant=False, residual=False)
    theta = jnp.log(lamda / l + 1.0)
    # g.ndata['h'] = in_feat * d
    h = in_feat * d[:, None]
    # update_all(copy_u, sum): scatter-add messages from src to dst
    src = edge_index[0]
    dst = edge_index[1]
    agg = jax.ops.segment_sum(jnp.take(h, src, axis=0), dst, num_segments=N_NODES)
    # h = h * d again after aggregation
    hi = agg * d[:, None]
    # variant=False: support = (1-alpha)*hi + alpha*h0, r = support
    support = (1.0 - alpha) * hi + alpha * h0
    r = support
    output = theta.astype(jnp.float32) * jnp.matmul(support, W) + (1.0 - theta).astype(jnp.float32) * r
    return output

if __name__ == "__main__":
    import jax
    _d = setup_inputs()
    print(jax.jit(kernel)(*tuple(_d.values())))

</pallas_src>

<mosaic_0001>
#map = affine_map<(d0, d1) -> (0, 0)>
module attributes {stable_mosaic.version = 14 : i64} {
  func.func @_sc_segment_sum_body(%arg0: i32, %arg1: i32, %arg2: memref<10000x128xf32, #tpu.memory_space<hbm>>, %arg3: memref<2x320000xi32, #tpu.memory_space<hbm>>, %arg4: memref<20224x128xf32, #tpu.memory_space<hbm>>, %arg5: memref<2x128xi32, #tpu.memory_space<vmem>>, %arg6: memref<2x128xi32, #tpu.memory_space<vmem>>, %arg7: memref<2x128xi32, #tpu.memory_space<vmem>>, %arg8: memref<128x128xf32, #tpu.memory_space<vmem>>, %arg9: memref<128x128xf32, #tpu.memory_space<vmem>>, %arg10: memref<128x128xf32, #tpu.memory_space<vmem>>, %arg11: memref<10112x128xf32, #tpu.memory_space<vmem_shared>>, %arg12: memref<!tpu.dma_semaphore, #tpu.memory_space<semaphore_mem>>, %arg13: memref<!tpu.dma_semaphore, #tpu.memory_space<semaphore_mem>>, %arg14: memref<!tpu.dma_semaphore, #tpu.memory_space<semaphore_mem>>, %arg15: memref<!tpu.dma_semaphore, #tpu.memory_space<semaphore_mem>>, %arg16: memref<!tpu.dma_semaphore, #tpu.memory_space<semaphore_mem>>, %arg17: memref<!tpu.dma_semaphore, #tpu.memory_space<semaphore_mem>>) attributes {dimension_semantics = [#tpu.dimension_semantics<core_parallel>, #tpu.dimension_semantics<subcore_parallel>], iteration_bounds = array<i64: 2, 16>, scalar_prefetch = 0 : i64, scratch_operands = 13 : i64, tpu.core_type = #tpu.core_type<sc_vector_subcore>, window_params = [{transform_indices = #map}, {transform_indices = #map}, {transform_indices = #map}]} {
    %mul3A = arith.constant 16 : i32
    %mul3A_0 = arith.muli %arg0, %mul3A : i32
    %add3A = arith.addi %mul3A_0, %arg1 : i32
    %scan3A = arith.constant 0 : i32
    %scan3A_1 = arith.constant 0 : i32
    %scan3A_2 = arith.constant 128 : i32
    %scan3A_3 = arith.addi %scan3A_1, %scan3A_2 : i32
    %scan3A_4 = arith.constant 1 : i32
    scf.for %scan3A_34 = %scan3A_1 to %scan3A_3 step %scan3A_4  : i32 {
      %broadcast_in_dim3A = arith.constant 0.000000e+00 : f32
      %broadcast_in_dim3A_35 = vector.broadcast %broadcast_in_dim3A : f32 to vector<16xf32>
      %swap3A = arith.index_cast %scan3A_34 : i32 to index
      %swap3A_36 = arith.constant 0 : index
      %swap3A_37 = tpu.vector_load %arg8[%swap3A, %swap3A_36] {strides = array<i32>} : memref<128x128xf32, #tpu.memory_space<vmem>>, vector<1x16xf32>,
      %swap3A_38 = vector.shape_cast %swap3A_37 : vector<1x16xf32> to vector<16xf32>
      %swap3A_39 = vector.shape_cast %broadcast_in_dim3A_35 : vector<16xf32> to vector<1x16xf32>
      tpu.vector_store %arg8[%swap3A, %swap3A_36], %swap3A_39 {strides = array<i32>} : memref<128x128xf32, #tpu.memory_space<vmem>>, vector<1x16xf32>,
      %broadcast_in_dim3A_40 = arith.constant 0.000000e+00 : f32
      %broadcast_in_dim3A_41 = vector.broadcast %broadcast_in_dim3A_40 : f32 to vector<16xf32>
      %swap3A_42 = arith.index_cast %scan3A_34 : i32 to index
      %swap3A_43 = arith.constant 16 : index
      %swap3A_44 = tpu.vector_load %arg8[%swap3A_42, %swap3A_43] {strides = array<i32>} : memref<128x128xf32, #tpu.memory_space<vmem>>, vector<1x16xf32>,
      %swap3A_45 = vector.shape_cast %swap3A_44 : vector<1x16xf32> to vector<16xf32>
      %swap3A_46 = vector.shape_cast %broadcast_in_dim3A_41 : vector<16xf32> to vector<1x16xf32>
      tpu.vector_store %arg8[%swap3A_42, %swap3A_43], %swap3A_46 {strides = array<i32>} : memref<128x128xf32, #tpu.memory_space<vmem>>, vector<1x16xf32>,
      %broadcast_in_dim3A_47 = arith.constant 0.000000e+00 : f32
      %broadcast_in_dim3A_48 = vector.broadcast %broadcast_in_dim3A_47 : f32 to vector<16xf32>
      %swap3A_49 = arith.index_cast %scan3A_34 : i32 to index
      %swap3A_50 = arith.constant 32 : index
      %swap3A_51 = tpu.vector_load %arg8[%swap3A_49, %swap3A_50] {strides = array<i32>} : memref<128x128xf32, #tpu.memory_space<vmem>>, vector<1x16xf32>,
      %swap3A_52 = vector.shape_cast %swap3A_51 : vector<1x16xf32> to vector<16xf32>
      %swap3A_53 = vector.shape_cast %broadcast_in_dim3A_48 : vector<16xf32> to vector<1x16xf32>
      tpu.vector_store %arg8[%swap3A_49, %swap3A_50], %swap3A_53 {strides = array<i32>} : memref<128x128xf32, #tpu.memory_space<vmem>>, vector<1x16xf32>,
      %broadcast_in_dim3A_54 = arith.constant 0.000000e+00 : f32
      %broadcast_in_dim3A_55 = vector.broadcast %broadcast_in_dim3A_54 : f32 to vector<16xf32>
      %swap3A_56 = arith.index_cast %scan3A_34 : i32 to index
      %swap3A_57 = arith.constant 48 : index
      %swap3A_58 = tpu.vector_load %arg8[%swap3A_56, %swap3A_57] {strides = array<i32>} : memref<128x128xf32, #tpu.memory_space<vmem>>, vector<1x16xf32>,
      %swap3A_59 = vector.shape_cast %swap3A_58 : vector<1x16xf32> to vector<16xf32>
      %swap3A_60 = vector.shape_cast %broadcast_in_dim3A_55 : vector<16xf32> to vector<1x16xf32>
      tpu.vector_store %arg8[%swap3A_56, %swap3A_57], %swap3A_60 {strides = array<i32>} : memref<128x128xf32, #tpu.memory_space<vmem>>, vector<1x16xf32>,
      %broadcast_in_dim3A_61 = arith.constant 0.000000e+00 : f32
      %broadcast_in_dim3A_62 = vector.broadcast %broadcast_in_dim3A_61 : f32 to vector<16xf32>
      %swap3A_63 = arith.index_cast %scan3A_34 : i32 to index
      %swap3A_64 = arith.constant 64 : index
      %swap3A_65 = tpu.vector_load %arg8[%swap3A_63, %swap3A_64] {strides = array<i32>} : memref<128x128xf32, #tpu.memory_space<vmem>>, vector<1x16xf32>,
      %swap3A_66 = vector.shape_cast %swap3A_65 : vector<1x16xf32> to vector<16xf32>
      %swap3A_67 = vector.shape_cast %broadcast_in_dim3A_62 : vector<16xf32> to vector<1x16xf32>
      tpu.vector_store %arg8[%swap3A_63, %swap3A_64], %swap3A_67 {strides = array<i32>} : memref<128x128xf32, #tpu.memory_space<vmem>>, vector<1x16xf32>,
      %broadcast_in_dim3A_68 = arith.constant 0.000000e+00 : f32
      %broadcast_in_dim3A_69 = vector.broadcast %broadcast_in_dim3A_68 : f32 to vector<16xf32>
      %swap3A_70 = arith.index_cast %scan3A_34 : i32 to index
      %swap3A_71 = arith.constant 80 : index
      %swap3A_72 = tpu.vector_load %arg8[%swap3A_70, %swap3A_71] {strides = array<i32>} : memref<128x128xf32, #tpu.memory_space<vmem>>, vector<1x16xf32>,
      %swap3A_73 = vector.shape_cast %swap3A_72 : vector<1x16xf32> to vector<16xf32>
      %swap3A_74 = vector.shape_cast %broadcast_in_dim3A_69 : vector<16xf32> to vector<1x16xf32>
      tpu.vector_store %arg8[%swap3A_70, %swap3A_71], %swap3A_74 {strides = array<i32>} : memref<128x128xf32, #tpu.memory_space<vmem>>, vector<1x16xf32>,
      %broadcast_in_dim3A_75 = arith.constant 0.000000e+00 : f32
      %broadcast_in_dim3A_76 = vector.broadcast %broadcast_in_dim3A_75 : f32 to vector<16xf32>
      %swap3A_77 = arith.index_cast %scan3A_34 : i32 to index
      %swap3A_78 = arith.constant 96 : index
      %swap3A_79 = tpu.vector_load %arg8[%swap3A_77, %swap3A_78] {strides = array<i32>} : memref<128x128xf32, #tpu.memory_space<vmem>>, vector<1x16xf32>,
      %swap3A_80 = vector.shape_cast %swap3A_79 : vector<1x16xf32> to vector<16xf32>
      %swap3A_81 = vector.shape_cast %broadcast_in_dim3A_76 : vector<16xf32> to vector<1x16xf32>
      tpu.vector_store %arg8[%swap3A_77, %swap3A_78], %swap3A_81 {strides = array<i32>} : memref<128x128xf32, #tpu.memory_space<vmem>>, vector<1x16xf32>,
      %broadcast_in_dim3A_82 = arith.constant 0.000000e+00 : f32
      %broadcast_in_dim3A_83 = vector.broadcast %broadcast_in_dim3A_82 : f32 to vector<16xf32>
      %swap3A_84 = arith.index_cast %scan3A_34 : i32 to index
      %swap3A_85 = arith.constant 112 : index
      %swap3A_86 = tpu.vector_load %arg8[%swap3A_84, %swap3A_85] {strides = array<i32>} : memref<128x128xf32, #tpu.memory_space<vmem>>, vector<1x16xf32>,
      %swap3A_87 = vector.shape_cast %swap3A_86 : vector<1x16xf32> to vector<16xf32>
      %swap3A_88 = vector.shape_cast %broadcast_in_dim3A_83 : vector<16xf32> to vector<1x16xf32>
      tpu.vector_store %arg8[%swap3A_84, %swap3A_85], %swap3A_88 {strides = array<i32>} : memref<128x128xf32, #tpu.memory_space<vmem>>, vector<1x16xf32>,
    }
    %scan3A_5 = arith.constant 128 : i32
    %mul3A_6 = arith.constant 632 : i32
    %mul3A_7 = arith.muli %arg1, %mul3A_6 : i32
    %add3A_8 = arith.constant 0 : i32
    %add3A_9 = arith.addi %mul3A_7, %add3A_8 : i32
    "tpu.region"() ({
      %run_scoped3A = tpu.sem_alloc : memref<!tpu.dma_semaphore, #tpu.memory_space<semaphore_mem>>
      %dma_start3A = arith.constant 0 : i32
      %dma_start3A_34 = tpu.memref_slice %arg11[%add3A_9, %dma_start3A] : memref<10112x128xf32, #tpu.memory_space<vmem_shared>> -> memref<128x128xf32, #tpu.memory_space<vmem_shared>>
      %dma_start3A_35 = arith.constant 0 : i32
      %dma_start3A_36 = tpu.memref_slice %arg11[%add3A_9, %dma_start3A_35] : memref<10112x128xf32, #tpu.memory_space<vmem_shared>> -> memref<128x128xf32, #tpu.memory_space<vmem_shared>>
      tpu.enqueue_dma source(%arg8 : memref<128x128xf32, #tpu.memory_space<vmem>>) target(%dma_start3A_36 : memref<128x128xf32, #tpu.memory_space<vmem_shared>>) target_semaphore(%run_scoped3A : memref<!tpu.dma_semaphore, #tpu.memory_space<semaphore_mem>>)
      %dma_wait3A = arith.constant 0 : i32
      %dma_wait3A_37 = tpu.memref_slice %arg11[%add3A_9, %dma_wait3A] : memref<10112x128xf32, #tpu.memory_space<vmem_shared>> -> memref<128x128xf32, #tpu.memory_space<vmem_shared>>
      %dma_wait3A_38 = arith.constant 0 : i32
      %dma_wait3A_39 = tpu.memref_slice %arg11[%add3A_9, %dma_wait3A_38] : memref<10112x128xf32, #tpu.memory_space<vmem_shared>> -> memref<128x128xf32, #tpu.memory_space<vmem_shared>>
      tpu.wait_dma2 semaphore(%run_scoped3A : memref<!tpu.dma_semaphore, #tpu.memory_space<semaphore_mem>>) src(%arg8 : memref<128x128xf32, #tpu.memory_space<vmem>>) dst(%dma_wait3A_39 : memref<128x128xf32, #tpu.memory_space<vmem_shared>>)
      tpu.yield
    }) : () -> ()
    %add3A_10 = arith.constant 128 : i32
    %add3A_11 = arith.addi %mul3A_7, %add3A_10 : i32
    "tpu.region"() ({
      %run_scoped3A = tpu.sem_alloc : memref<!tpu.dma_semaphore, #tpu.memory_space<semaphore_mem>>
      %dma_start3A = arith.constant 0 : i32
      %dma_start3A_34 = tpu.memref_slice %arg11[%add3A_11, %dma_start3A] : memref<10112x128xf32, #tpu.memory_space<vmem_shared>> -> memref<128x128xf32, #tpu.memory_space<vmem_shared>>
      %dma_start3A_35 = arith.constant 0 : i32
      %dma_start3A_36 = tpu.memref_slice %arg11[%add3A_11, %dma_start3A_35] : memref<10112x128xf32, #tpu.memory_space<vmem_shared>> -> memref<128x128xf32, #tpu.memory_space<vmem_shared>>
      tpu.enqueue_dma source(%arg8 : memref<128x128xf32, #tpu.memory_space<vmem>>) target(%dma_start3A_36 : memref<128x128xf32, #tpu.memory_space<vmem_shared>>) target_semaphore(%run_scoped3A : memref<!tpu.dma_semaphore, #tpu.memory_space<semaphore_mem>>)
      %dma_wait3A = arith.constant 0 : i32
      %dma_wait3A_37 = tpu.memref_slice %arg11[%add3A_11, %dma_wait3A] : memref<10112x128xf32, #tpu.memory_space<vmem_shared>> -> memref<128x128xf32, #tpu.memory_space<vmem_shared>>
      %dma_wait3A_38 = arith.constant 0 : i32
      %dma_wait3A_39 = tpu.memref_slice %arg11[%add3A_11, %dma_wait3A_38] : memref<10112x128xf32, #tpu.memory_space<vmem_shared>> -> memref<128x128xf32, #tpu.memory_space<vmem_shared>>
      tpu.wait_dma2 semaphore(%run_scoped3A : memref<!tpu.dma_semaphore, #tpu.memory_space<semaphore_mem>>) src(%arg8 : memref<128x128xf32, #tpu.memory_space<vmem>>) dst(%dma_wait3A_39 : memref<128x128xf32, #tpu.memory_space<vmem_shared>>)
      tpu.yield
    }) : () -> ()
    %add3A_12 = arith.constant 256 : i32
    %add3A_13 = arith.addi %mul3A_7, %add3A_12 : i32
    "tpu.region"() ({
      %run_scoped3A = tpu.sem_alloc : memref<!tpu.dma_semaphore, #tpu.memory_space<semaphore_mem>>
      %dma_start3A = arith.constant 0 : i32
      %dma_start3A_34 = tpu.memref_slice %arg11[%add3A_13, %dma_start3A] : memref<10112x128xf32, #tpu.memory_space<vmem_shared>> -> memref<128x128xf32, #tpu.memory_space<vmem_shared>>
      %dma_start3A_35 = arith.constant 0 : i32
      %dma_start3A_36 = tpu.memref_slice %arg11[%add3A_13, %dma_start3A_35] : memref<10112x128xf32, #tpu.memory_space<vmem_shared>> -> memref<128x128xf32, #tpu.memory_space<vmem_shared>>
      tpu.enqueue_dma source(%arg8 : memref<128x128xf32, #tpu.memory_space<vmem>>) target(%dma_start3A_36 : memref<128x128xf32, #tpu.memory_space<vmem_shared>>) target_semaphore(%run_scoped3A : memref<!tpu.dma_semaphore, #tpu.memory_space<semaphore_mem>>)
      %dma_wait3A = arith.constant 0 : i32
      %dma_wait3A_37 = tpu.memref_slice %arg11[%add3A_13, %dma_wait3A] : memref<10112x128xf32, #tpu.memory_space<vmem_shared>> -> memref<128x128xf32, #tpu.memory_space<vmem_shared>>
      %dma_wait3A_38 = arith.constant 0 : i32
      %dma_wait3A_39 = tpu.memref_slice %arg11[%add3A_13, %dma_wait3A_38] : memref<10112x128xf32, #tpu.memory_space<vmem_shared>> -> memref<128x128xf32, #tpu.memory_space<vmem_shared>>
      tpu.wait_dma2 semaphore(%run_scoped3A : memref<!tpu.dma_semaphore, #tpu.memory_space<semaphore_mem>>) src(%arg8 : memref<128x128xf32, #tpu.memory_space<vmem>>) dst(%dma_wait3A_39 : memref<128x128xf32, #tpu.memory_space<vmem_shared>>)
      tpu.yield
    }) : () -> ()
    %add3A_14 = arith.constant 384 : i32
    %add3A_15 = arith.addi %mul3A_7, %add3A_14 : i32
    "tpu.region"() ({
      %run_scoped3A = tpu.sem_alloc : memref<!tpu.dma_semaphore, #tpu.memory_space<semaphore_mem>>
      %dma_start3A = arith.constant 0 : i32
      %dma_start3A_34 = tpu.memref_slice %arg11[%add3A_15, %dma_start3A] : memref<10112x128xf32, #tpu.memory_space<vmem_shared>> -> memref<128x128xf32, #tpu.memory_space<vmem_shared>>
      %dma_start3A_35 = arith.constant 0 : i32
      %dma_start3A_36 = tpu.memref_slice %arg11[%add3A_15, %dma_start3A_35] : memref<10112x128xf32, #tpu.memory_space<vmem_shared>> -> memref<128x128xf32, #tpu.memory_space<vmem_shared>>
      tpu.enqueue_dma source(%arg8 : memref<128x128xf32, #tpu.memory_space<vmem>>) target(%dma_start3A_36 : memref<128x128xf32, #tpu.memory_space<vmem_shared>>) target_semaphore(%run_scoped3A : memref<!tpu.dma_semaphore, #tpu.memory_space<semaphore_mem>>)
      %dma_wait3A = arith.constant 0 : i32
      %dma_wait3A_37 = tpu.memref_slice %arg11[%add3A_15, %dma_wait3A] : memref<10112x128xf32, #tpu.memory_space<vmem_shared>> -> memref<128x128xf32, #tpu.memory_space<vmem_shared>>
      %dma_wait3A_38 = arith.constant 0 : i32
      %dma_wait3A_39 = tpu.memref_slice %arg11[%add3A_15, %dma_wait3A_38] : memref<10112x128xf32, #tpu.memory_space<vmem_shared>> -> memref<128x128xf32, #tpu.memory_space<vmem_shared>>
      tpu.wait_dma2 semaphore(%run_scoped3A : memref<!tpu.dma_semaphore, #tpu.memory_space<semaphore_mem>>) src(%arg8 : memref<128x128xf32, #tpu.memory_space<vmem>>) dst(%dma_wait3A_39 : memref<128x128xf32, #tpu.memory_space<vmem_shared>>)
      tpu.yield
    }) : () -> ()
    %add3A_16 = arith.constant 512 : i32
    %add3A_17 = arith.addi %mul3A_7, %add3A_16 : i32
    "tpu.region"() ({
      %run_scoped3A = tpu.sem_alloc : memref<!tpu.dma_semaphore, #tpu.memory_space<semaphore_mem>>
      %dma_start3A = arith.constant 0 : i32
      %dma_start3A_34 = arith.constant 0 : i32
      %dma_start3A_35 = tpu.memref_slice %arg8[%dma_start3A, %dma_start3A_34] : memref<128x128xf32, #tpu.memory_space<vmem>> -> memref<120x128xf32, #tpu.memory_space<vmem>>
      %dma_start3A_36 = arith.constant 0 : i32
      %dma_start3A_37 = tpu.memref_slice %arg11[%add3A_17, %dma_start3A_36] : memref<10112x128xf32, #tpu.memory_space<vmem_shared>> -> memref<120x128xf32, #tpu.memory_space<vmem_shared>>
      %dma_start3A_38 = arith.constant 0 : i32
      %dma_start3A_39 = tpu.memref_slice %arg11[%add3A_17, %dma_start3A_38] : memref<10112x128xf32, #tpu.memory_space<vmem_shared>> -> memref<120x128xf32, #tpu.memory_space<vmem_shared>>
      %dma_start3A_40 = arith.constant 0 : i32
      %dma_start3A_41 = arith.constant 0 : i32
      %dma_start3A_42 = tpu.memref_slice %arg8[%dma_start3A_40, %dma_start3A_41] : memref<128x128xf32, #tpu.memory_space<vmem>> -> memref<120x128xf32, #tpu.memory_space<vmem>>
      tpu.enqueue_dma source(%dma_start3A_42 : memref<120x128xf32, #tpu.memory_space<vmem>>) target(%dma_start3A_39 : memref<120x128xf32, #tpu.memory_space<vmem_shared>>) target_semaphore(%run_scoped3A : memref<!tpu.dma_semaphore, #tpu.memory_space<semaphore_mem>>)
      %dma_wait3A = arith.constant 0 : i32
      %dma_wait3A_43 = arith.constant 0 : i32
      %dma_wait3A_44 = tpu.memref_slice %arg8[%dma_wait3A, %dma_wait3A_43] : memref<128x128xf32, #tpu.memory_space<vmem>> -> memref<120x128xf32, #tpu.memory_space<vmem>>
      %dma_wait3A_45 = arith.constant 0 : i32
      %dma_wait3A_46 = tpu.memref_slice %arg11[%add3A_17, %dma_wait3A_45] : memref<10112x128xf32, #tpu.memory_space<vmem_shared>> -> memref<120x128xf32, #tpu.memory_space<vmem_shared>>
      %dma_wait3A_47 = arith.constant 0 : i32
      %dma_wait3A_48 = tpu.memref_slice %arg11[%add3A_17, %dma_wait3A_47] : memref<10112x128xf32, #tpu.memory_space<vmem_shared>> -> memref<120x128xf32, #tpu.memory_space<vmem_shared>>
      %dma_wait3A_49 = arith.constant 0 : i32
      %dma_wait3A_50 = arith.constant 0 : i32
      %dma_wait3A_51 = tpu.memref_slice %arg8[%dma_wait3A_49, %dma_wait3A_50] : memref<128x128xf32, #tpu.memory_space<vmem>> -> memref<120x128xf32, #tpu.memory_space<vmem>>
      tpu.wait_dma2 semaphore(%run_scoped3A : memref<!tpu.dma_semaphore, #tpu.memory_space<semaphore_mem>>) src(%dma_wait3A_51 : memref<120x128xf32, #tpu.memory_space<vmem>>) dst(%dma_wait3A_48 : memref<120x128xf32, #tpu.memory_space<vmem_shared>>)
      tpu.yield
    }) : () -> ()
    %barrier3A = arith.constant 0 : index
    tpu.barrier barrier_id(%barrier3A)
    %lt3A = arith.constant 4 : i32
    %lt3A_18 = arith.cmpi slt, %add3A, %lt3A : i32
    %jit3A = arith.constant 79 : i32
    %jit3A_19 = arith.constant 78 : i32
    %select_n3A = arith.select %lt3A_18, %jit3A, %jit3A_19 : i32
    %mul3A_20 = arith.constant 78 : i32
    %mul3A_21 = arith.muli %add3A, %mul3A_20 : i32
    %min3A = arith.constant 4 : i32
    %min3A_22 = arith.minsi %add3A, %min3A : i32
    %add3A_23 = arith.addi %mul3A_21, %min3A_22 : i32
    %scan3A_24 = arith.constant 0 : i32
    %scan3A_25 = arith.constant 0 : i32
    %scan3A_26 = arith.constant 28 : i32
    %scan3A_27 = arith.addi %scan3A_25, %scan3A_26 : i32
    %scan3A_28 = arith.constant 1 : i32
    scf.for %scan3A_34 = %scan3A_25 to %scan3A_27 step %scan3A_28  : i32 {
      %mul3A_35 = arith.constant 3 : i32
      %mul3A_36 = arith.muli %scan3A_34, %mul3A_35 : i32
      %add3A_37 = arith.constant 0 : i32
      %add3A_38 = arith.addi %mul3A_36, %add3A_37 : i32
      %ge3A = arith.constant 3 : i32
      %ge3A_39 = arith.cmpi sge, %add3A_38, %ge3A : i32
      %add3A_40 = arith.constant 3 : i32
      %add3A_41 = arith.addi %select_n3A, %add3A_40 : i32
      %lt3A_42 = arith.cmpi slt, %add3A_38, %add3A_41 : i32
      %and3A = arith.andi %ge3A_39, %lt3A_42 : i1
      %convert_element_type3A = arith.extui %and3A : i1 to i32
      %cond3A = arith.constant 0 : i32
      %cond3A_43 = arith.cmpi ne, %convert_element_type3A, %cond3A : i32
      scf.if %cond3A_43 {
        %dma_wait3A = arith.constant 0 : i32
        %dma_wait3A_109 = arith.constant 0 : i32
        %dma_wait3A_110 = tpu.memref_slice %arg5[%dma_wait3A, %dma_wait3A_109] : memref<2x128xi32, #tpu.memory_space<vmem>> -> memref<1x128xi32, #tpu.memory_space<vmem>>
        %dma_wait3A_111 = tpu.memref_squeeze %dma_wait3A_110 : memref<1x128xi32, #tpu.memory_space<vmem>> -> memref<128xi32, #tpu.memory_space<vmem>>
        %dma_wait3A_112 = arith.constant 0 : i32
        %dma_wait3A_113 = arith.constant 0 : i32
        %dma_wait3A_114 = tpu.memref_slice %arg2[%dma_wait3A_112, %dma_wait3A_113] : memref<10000x128xf32, #tpu.memory_space<hbm>> -> memref<10000x128xf32, #tpu.memory_space<hbm>>
        tpu.wait_indirect_dma semaphore(%arg15 : memref<!tpu.dma_semaphore, #tpu.memory_space<semaphore_mem>>) src(%dma_wait3A_114 : memref<10000x128xf32, #tpu.memory_space<hbm>>) dst(%arg8 : memref<128x128xf32, #tpu.memory_space<vmem>>)
        %run_scoped3A = arith.constant 1 : i32
        "tpu.region"() ({
          %run_scoped3A_115 = tpu.sem_alloc : memref<!tpu.dma_semaphore, #tpu.memory_space<semaphore_mem>>
          %dma_start3A = arith.constant 0 : i32
          %dma_start3A_116 = tpu.memref_slice %arg5[%run_scoped3A, %dma_start3A] : memref<2x128xi32, #tpu.memory_space<vmem>> -> memref<1x128xi32, #tpu.memory_space<vmem>>
          %dma_start3A_117 = tpu.memref_squeeze %dma_start3A_116 : memref<1x128xi32, #tpu.memory_space<vmem>> -> memref<128xi32, #tpu.memory_space<vmem>>
          %dma_start3A_118 = arith.constant 0 : i32
          %dma_start3A_119 = arith.constant 0 : i32
          %dma_start3A_120 = tpu.memref_slice %arg11[%dma_start3A_118, %dma_start3A_119] : memref<10112x128xf32, #tpu.memory_space<vmem_shared>> -> memref<10112x128xf32, #tpu.memory_space<vmem_shared>>
          tpu.enqueue_indirect_dma source(%arg8 : memref<128x128xf32, #tpu.memory_space<vmem>>) target(%dma_start3A_120 : memref<10112x128xf32, #tpu.memory_space<vmem_shared>>) offsets(%dma_start3A_117 : memref<128xi32, #tpu.memory_space<vmem>>) semaphore(%run_scoped3A_115 : memref<!tpu.dma_semaphore, #tpu.memory_space<semaphore_mem>>) {add = true}
          %dma_wait3A_121 = arith.constant 0 : i32
          %dma_wait3A_122 = tpu.memref_slice %arg5[%run_scoped3A, %dma_wait3A_121] : memref<2x128xi32, #tpu.memory_space<vmem>> -> memref<1x128xi32, #tpu.memory_space<vmem>>
          %dma_wait3A_123 = tpu.memref_squeeze %dma_wait3A_122 : memref<1x128xi32, #tpu.memory_space<vmem>> -> memref<128xi32, #tpu.memory_space<vmem>>
          %dma_wait3A_124 = arith.constant 0 : i32
          %dma_wait3A_125 = arith.constant 0 : i32
          %dma_wait3A_126 = tpu.memref_slice %arg11[%dma_wait3A_124, %dma_wait3A_125] : memref<10112x128xf32, #tpu.memory_space<vmem_shared>> -> memref<10112x128xf32, #tpu.memory_space<vmem_shared>>
          tpu.wait_indirect_dma semaphore(%run_scoped3A_115 : memref<!tpu.dma_semaphore, #tpu.memory_space<semaphore_mem>>) src(%arg8 : memref<128x128xf32, #tpu.memory_space<vmem>>) dst(%dma_wait3A_126 : memref<10112x128xf32, #tpu.memory_space<vmem_shared>>)
          tpu.yield
        }) : () -> ()
      } else {
      }
      %lt3A_44 = arith.cmpi slt, %add3A_38, %select_n3A : i32
      %convert_element_type3A_45 = arith.extui %lt3A_44 : i1 to i32
      %cond3A_46 = arith.constant 0 : i32
      %cond3A_47 = arith.cmpi ne, %convert_element_type3A_45, %cond3A_46 : i32
      scf.if %cond3A_47 {
        %add3A_109 = arith.addi %add3A_23, %add3A_38 : i32
        %mul3A_110 = arith.constant 128 : i32
        %mul3A_111 = arith.muli %add3A_109, %mul3A_110 : i32
        %multiple_of3A_112 = tpu.assume_multiple %mul3A_111, 128 : i32
        %dma_start3A = arith.constant 0 : i32
        %dma_start3A_113 = tpu.memref_slice %arg3[%dma_start3A, %multiple_of3A_112] : memref<2x320000xi32, #tpu.memory_space<hbm>> -> memref<2x128xi32, #tpu.memory_space<hbm>>
        %dma_start3A_114 = arith.constant 0 : i32
        %dma_start3A_115 = tpu.memref_slice %arg3[%dma_start3A_114, %multiple_of3A_112] : memref<2x320000xi32, #tpu.memory_space<hbm>> -> memref<2x128xi32, #tpu.memory_space<hbm>>
        tpu.enqueue_dma source(%dma_start3A_115 : memref<2x128xi32, #tpu.memory_space<hbm>>) target(%arg5 : memref<2x128xi32, #tpu.memory_space<vmem>>) target_semaphore(%arg12 : memref<!tpu.dma_semaphore, #tpu.memory_space<semaphore_mem>>)
      } else {
      }
      %ge3A_48 = arith.constant 1 : i32
      %ge3A_49 = arith.cmpi sge, %add3A_38, %ge3A_48 : i32
      %add3A_50 = arith.constant 1 : i32
      %add3A_51 = arith.addi %select_n3A, %add3A_50 : i32
      %lt3A_52 = arith.cmpi slt, %add3A_38, %add3A_51 : i32
      %and3A_53 = arith.andi %ge3A_49, %lt3A_52 : i1
      %convert_element_type3A_54 = arith.extui %and3A_53 : i1 to i32
      %cond3A_55 = arith.constant 0 : i32
      %cond3A_56 = arith.cmpi ne, %convert_element_type3A_54, %cond3A_55 : i32
      scf.if %cond3A_56 {
        %add3A_109 = arith.addi %add3A_23, %add3A_38 : i32
        %sub3A = arith.constant 1 : i32
        %sub3A_110 = arith.subi %add3A_109, %sub3A : i32
        %mul3A_111 = arith.constant 128 : i32
        %mul3A_112 = arith.muli %sub3A_110, %mul3A_111 : i32
        %multiple_of3A_113 = tpu.assume_multiple %mul3A_112, 128 : i32
        %dma_wait3A = arith.constant 0 : i32
        %dma_wait3A_114 = tpu.memref_slice %arg3[%dma_wait3A, %multiple_of3A_113] : memref<2x320000xi32, #tpu.memory_space<hbm>> -> memref<2x128xi32, #tpu.memory_space<hbm>>
        %dma_wait3A_115 = arith.constant 0 : i32
        %dma_wait3A_116 = tpu.memref_slice %arg3[%dma_wait3A_115, %multiple_of3A_113] : memref<2x320000xi32, #tpu.memory_space<hbm>> -> memref<2x128xi32, #tpu.memory_space<hbm>>
        tpu.wait_dma2 semaphore(%arg14 : memref<!tpu.dma_semaphore, #tpu.memory_space<semaphore_mem>>) src(%dma_wait3A_116 : memref<2x128xi32, #tpu.memory_space<hbm>>) dst(%arg7 : memref<2x128xi32, #tpu.memory_space<vmem>>)
        %dma_start3A = arith.constant 0 : i32
        %dma_start3A_117 = arith.constant 0 : i32
        %dma_start3A_118 = tpu.memref_slice %arg7[%dma_start3A, %dma_start3A_117] : memref<2x128xi32, #tpu.memory_space<vmem>> -> memref<1x128xi32, #tpu.memory_space<vmem>>
        %dma_start3A_119 = tpu.memref_squeeze %dma_start3A_118 : memref<1x128xi32, #tpu.memory_space<vmem>> -> memref<128xi32, #tpu.memory_space<vmem>>
        %dma_start3A_120 = arith.constant 0 : i32
        %dma_start3A_121 = arith.constant 0 : i32
        %dma_start3A_122 = tpu.memref_slice %arg2[%dma_start3A_120, %dma_start3A_121] : memref<10000x128xf32, #tpu.memory_space<hbm>> -> memref<10000x128xf32, #tpu.memory_space<hbm>>
        tpu.enqueue_indirect_dma source(%dma_start3A_122 : memref<10000x128xf32, #tpu.memory_space<hbm>>) target(%arg10 : memref<128x128xf32, #tpu.memory_space<vmem>>) offsets(%dma_start3A_119 : memref<128xi32, #tpu.memory_space<vmem>>) semaphore(%arg17 : memref<!tpu.dma_semaphore, #tpu.memory_space<semaphore_mem>>)
      } else {
      }
      %mul3A_57 = arith.constant 3 : i32
      %mul3A_58 = arith.muli %scan3A_34, %mul3A_57 : i32
      %add3A_59 = arith.constant 1 : i32
      %add3A_60 = arith.addi %mul3A_58, %add3A_59 : i32
      %ge3A_61 = arith.constant 3 : i32
      %ge3A_62 = arith.cmpi sge, %add3A_60, %ge3A_61 : i32
      %add3A_63 = arith.constant 3 : i32
      %add3A_64 = arith.addi %select_n3A, %add3A_63 : i32
      %lt3A_65 = arith.cmpi slt, %add3A_60, %add3A_64 : i32
      %and3A_66 = arith.andi %ge3A_62, %lt3A_65 : i1
      %convert_element_type3A_67 = arith.extui %and3A_66 : i1 to i32
      %cond3A_68 = arith.constant 0 : i32
      %cond3A_69 = arith.cmpi ne, %convert_element_type3A_67, %cond3A_68 : i32
      scf.if %cond3A_69 {
        %dma_wait3A = arith.constant 0 : i32
        %dma_wait3A_109 = arith.constant 0 : i32
        %dma_wait3A_110 = tpu.memref_slice %arg6[%dma_wait3A, %dma_wait3A_109] : memref<2x128xi32, #tpu.memory_space<vmem>> -> memref<1x128xi32, #tpu.memory_space<vmem>>
        %dma_wait3A_111 = tpu.memref_squeeze %dma_wait3A_110 : memref<1x128xi32, #tpu.memory_space<vmem>> -> memref<128xi32, #tpu.memory_space<vmem>>
        %dma_wait3A_112 = arith.constant 0 : i32
        %dma_wait3A_113 = arith.constant 0 : i32
        %dma_wait3A_114 = tpu.memref_slice %arg2[%dma_wait3A_112, %dma_wait3A_113] : memref<10000x128xf32, #tpu.memory_space<hbm>> -> memref<10000x128xf32, #tpu.memory_space<hbm>>
        tpu.wait_indirect_dma semaphore(%arg16 : memref<!tpu.dma_semaphore, #tpu.memory_space<semaphore_mem>>) src(%dma_wait3A_114 : memref<10000x128xf32, #tpu.memory_space<hbm>>) dst(%arg9 : memref<128x128xf32, #tpu.memory_space<vmem>>)
        %run_scoped3A = arith.constant 1 : i32
        "tpu.region"() ({
          %run_scoped3A_115 = tpu.sem_alloc : memref<!tpu.dma_semaphore, #tpu.memory_space<semaphore_mem>>
          %dma_start3A = arith.constant 0 : i32
          %dma_start3A_116 = tpu.memref_slice %arg6[%run_scoped3A, %dma_start3A] : memref<2x128xi32, #tpu.memory_space<vmem>> -> memref<1x128xi32, #tpu.memory_space<vmem>>
          %dma_start3A_117 = tpu.memref_squeeze %dma_start3A_116 : memref<1x128xi32, #tpu.memory_space<vmem>> -> memref<128xi32, #tpu.memory_space<vmem>>
          %dma_start3A_118 = arith.constant 0 : i32
          %dma_start3A_119 = arith.constant 0 : i32
          %dma_start3A_120 = tpu.memref_slice %arg11[%dma_start3A_118, %dma_start3A_119] : memref<10112x128xf32, #tpu.memory_space<vmem_shared>> -> memref<10112x128xf32, #tpu.memory_space<vmem_shared>>
          tpu.enqueue_indirect_dma source(%arg9 : memref<128x128xf32, #tpu.memory_space<vmem>>) target(%dma_start3A_120 : memref<10112x128xf32, #tpu.memory_space<vmem_shared>>) offsets(%dma_start3A_117 : memref<128xi32, #tpu.memory_space<vmem>>) semaphore(%run_scoped3A_115 : memref<!tpu.dma_semaphore, #tpu.memory_space<semaphore_mem>>) {add = true}
          %dma_wait3A_121 = arith.constant 0 : i32
          %dma_wait3A_122 = tpu.memref_slice %arg6[%run_scoped3A, %dma_wait3A_121] : memref<2x128xi32, #tpu.memory_space<vmem>> -> memref<1x128xi32, #tpu.memory_space<vmem>>
          %dma_wait3A_123 = tpu.memref_squeeze %dma_wait3A_122 : memref<1x128xi32, #tpu.memory_space<vmem>> -> memref<128xi32, #tpu.memory_space<vmem>>
          %dma_wait3A_124 = arith.constant 0 : i32
          %dma_wait3A_125 = arith.constant 0 : i32
          %dma_wait3A_126 = tpu.memref_slice %arg11[%dma_wait3A_124, %dma_wait3A_125] : memref<10112x128xf32, #tpu.memory_space<vmem_shared>> -> memref<10112x128xf32, #tpu.memory_space<vmem_shared>>
          tpu.wait_indirect_dma semaphore(%run_scoped3A_115 : memref<!tpu.dma_semaphore, #tpu.memory_space<semaphore_mem>>) src(%arg9 : memref<128x128xf32, #tpu.memory_space<vmem>>) dst(%dma_wait3A_126 : memref<10112x128xf32, #tpu.memory_space<vmem_shared>>)
          tpu.yield
        }) : () -> ()
      } else {
      }
      %lt3A_70 = arith.cmpi slt, %add3A_60, %select_n3A : i32
      %convert_element_type3A_71 = arith.extui %lt3A_70 : i1 to i32
      %cond3A_72 = arith.constant 0 : i32
      %cond3A_73 = arith.cmpi ne, %convert_element_type3A_71, %cond3A_72 : i32
      scf.if %cond3A_73 {
        %add3A_109 = arith.addi %add3A_23, %add3A_60 : i32
        %mul3A_110 = arith.constant 128 : i32
        %mul3A_111 = arith.muli %add3A_109, %mul3A_110 : i32
        %multiple_of3A_112 = tpu.assume_multiple %mul3A_111, 128 : i32
        %dma_start3A = arith.constant 0 : i32
        %dma_start3A_113 = tpu.memref_slice %arg3[%dma_start3A, %multiple_of3A_112] : memref<2x320000xi32, #tpu.memory_space<hbm>> -> memref<2x128xi32, #tpu.memory_space<hbm>>
        %dma_start3A_114 = arith.constant 0 : i32
        %dma_start3A_115 = tpu.memref_slice %arg3[%dma_start3A_114, %multiple_of3A_112] : memref<2x320000xi32, #tpu.memory_space<hbm>> -> memref<2x128xi32, #tpu.memory_space<hbm>>
        tpu.enqueue_dma source(%dma_start3A_115 : memref<2x128xi32, #tpu.memory_space<hbm>>) target(%arg6 : memref<2x128xi32, #tpu.memory_space<vmem>>) target_semaphore(%arg13 : memref<!tpu.dma_semaphore, #tpu.memory_space<semaphore_mem>>)
      } else {
      }
      %ge3A_74 = arith.constant 1 : i32
      %ge3A_75 = arith.cmpi sge, %add3A_60, %ge3A_74 : i32
      %add3A_76 = arith.constant 1 : i32
      %add3A_77 = arith.addi %select_n3A, %add3A_76 : i32
      %lt3A_78 = arith.cmpi slt, %add3A_60, %add3A_77 : i32
      %and3A_79 = arith.andi %ge3A_75, %lt3A_78 : i1
      %convert_element_type3A_80 = arith.extui %and3A_79 : i1 to i32
      %cond3A_81 = arith.constant 0 : i32
      %cond3A_82 = arith.cmpi ne, %convert_element_type3A_80, %cond3A_81 : i32
      scf.if %cond3A_82 {
        %add3A_109 = arith.addi %add3A_23, %add3A_60 : i32
        %sub3A = arith.constant 1 : i32
        %sub3A_110 = arith.subi %add3A_109, %sub3A : i32
        %mul3A_111 = arith.constant 128 : i32
        %mul3A_112 = arith.muli %sub3A_110, %mul3A_111 : i32
        %multiple_of3A_113 = tpu.assume_multiple %mul3A_112, 128 : i32
        %dma_wait3A = arith.constant 0 : i32
        %dma_wait3A_114 = tpu.memref_slice %arg3[%dma_wait3A, %multiple_of3A_113] : memref<2x320000xi32, #tpu.memory_space<hbm>> -> memref<2x128xi32, #tpu.memory_space<hbm>>
        %dma_wait3A_115 = arith.constant 0 : i32
        %dma_wait3A_116 = tpu.memref_slice %arg3[%dma_wait3A_115, %multiple_of3A_113] : memref<2x320000xi32, #tpu.memory_space<hbm>> -> memref<2x128xi32, #tpu.memory_space<hbm>>
        tpu.wait_dma2 semaphore(%arg12 : memref<!tpu.dma_semaphore, #tpu.memory_space<semaphore_mem>>) src(%dma_wait3A_116 : memref<2x128xi32, #tpu.memory_space<hbm>>) dst(%arg5 : memref<2x128xi32, #tpu.memory_space<vmem>>)
        %dma_start3A = arith.constant 0 : i32
        %dma_start3A_117 = arith.constant 0 : i32
        %dma_start3A_118 = tpu.memref_slice %arg5[%dma_start3A, %dma_start3A_117] : memref<2x128xi32, #tpu.memory_space<vmem>> -> memref<1x128xi32, #tpu.memory_space<vmem>>
        %dma_start3A_119 = tpu.memref_squeeze %dma_start3A_118 : memref<1x128xi32, #tpu.memory_space<vmem>> -> memref<128xi32, #tpu.memory_space<vmem>>
        %dma_start3A_120 = arith.constant 0 : i32
        %dma_start3A_121 = arith.constant 0 : i32
        %dma_start3A_122 = tpu.memref_slice %arg2[%dma_start3A_120, %dma_start3A_121] : memref<10000x128xf32, #tpu.memory_space<hbm>> -> memref<10000x128xf32, #tpu.memory_space<hbm>>
        tpu.enqueue_indirect_dma source(%dma_start3A_122 : memref<10000x128xf32, #tpu.memory_space<hbm>>) target(%arg8 : memref<128x128xf32, #tpu.memory_space<vmem>>) offsets(%dma_start3A_119 : memref<128xi32, #tpu.memory_space<vmem>>) semaphore(%arg15 : memref<!tpu.dma_semaphore, #tpu.memory_space<semaphore_mem>>)
      } else {
      }
      %mul3A_83 = arith.constant 3 : i32
      %mul3A_84 = arith.muli %scan3A_34, %mul3A_83 : i32
      %add3A_85 = arith.constant 2 : i32
      %add3A_86 = arith.addi %mul3A_84, %add3A_85 : i32
      %ge3A_87 = arith.constant 3 : i32
      %ge3A_88 = arith.cmpi sge, %add3A_86, %ge3A_87 : i32
      %add3A_89 = arith.constant 3 : i32
      %add3A_90 = arith.addi %select_n3A, %add3A_89 : i32
      %lt3A_91 = arith.cmpi slt, %add3A_86, %add3A_90 : i32
      %and3A_92 = arith.andi %ge3A_88, %lt3A_91 : i1
      %convert_element_type3A_93 = arith.extui %and3A_92 : i1 to i32
      %cond3A_94 = arith.constant 0 : i32
      %cond3A_95 = arith.cmpi ne, %convert_element_type3A_93, %cond3A_94 : i32
      scf.if %cond3A_95 {
        %dma_wait3A = arith.constant 0 : i32
        %dma_wait3A_109 = arith.constant 0 : i32
        %dma_wait3A_110 = tpu.memref_slice %arg7[%dma_wait3A, %dma_wait3A_109] : memref<2x128xi32, #tpu.memory_space<vmem>> -> memref<1x128xi32, #tpu.memory_space<vmem>>
        %dma_wait3A_111 = tpu.memref_squeeze %dma_wait3A_110 : memref<1x128xi32, #tpu.memory_space<vmem>> -> memref<128xi32, #tpu.memory_space<vmem>>
        %dma_wait3A_112 = arith.constant 0 : i32
        %dma_wait3A_113 = arith.constant 0 : i32
        %dma_wait3A_114 = tpu.memref_slice %arg2[%dma_wait3A_112, %dma_wait3A_113] : memref<10000x128xf32, #tpu.memory_space<hbm>> -> memref<10000x128xf32, #tpu.memory_space<hbm>>
        tpu.wait_indirect_dma semaphore(%arg17 : memref<!tpu.dma_semaphore, #tpu.memory_space<semaphore_mem>>) src(%dma_wait3A_114 : memref<10000x128xf32, #tpu.memory_space<hbm>>) dst(%arg10 : memref<128x128xf32, #tpu.memory_space<vmem>>)
        %run_scoped3A = arith.constant 1 : i32
        "tpu.region"() ({
          %run_scoped3A_115 = tpu.sem_alloc : memref<!tpu.dma_semaphore, #tpu.memory_space<semaphore_mem>>
          %dma_start3A = arith.constant 0 : i32
          %dma_start3A_116 = tpu.memref_slice %arg7[%run_scoped3A, %dma_start3A] : memref<2x128xi32, #tpu.memory_space<vmem>> -> memref<1x128xi32, #tpu.memory_space<vmem>>
          %dma_start3A_117 = tpu.memref_squeeze %dma_start3A_116 : memref<1x128xi32, #tpu.memory_space<vmem>> -> memref<128xi32, #tpu.memory_space<vmem>>
          %dma_start3A_118 = arith.constant 0 : i32
          %dma_start3A_119 = arith.constant 0 : i32
          %dma_start3A_120 = tpu.memref_slice %arg11[%dma_start3A_118, %dma_start3A_119] : memref<10112x128xf32, #tpu.memory_space<vmem_shared>> -> memref<10112x128xf32, #tpu.memory_space<vmem_shared>>
          tpu.enqueue_indirect_dma source(%arg10 : memref<128x128xf32, #tpu.memory_space<vmem>>) target(%dma_start3A_120 : memref<10112x128xf32, #tpu.memory_space<vmem_shared>>) offsets(%dma_start3A_117 : memref<128xi32, #tpu.memory_space<vmem>>) semaphore(%run_scoped3A_115 : memref<!tpu.dma_semaphore, #tpu.memory_space<semaphore_mem>>) {add = true}
          %dma_wait3A_121 = arith.constant 0 : i32
          %dma_wait3A_122 = tpu.memref_slice %arg7[%run_scoped3A, %dma_wait3A_121] : memref<2x128xi32, #tpu.memory_space<vmem>> -> memref<1x128xi32, #tpu.memory_space<vmem>>
          %dma_wait3A_123 = tpu.memref_squeeze %dma_wait3A_122 : memref<1x128xi32, #tpu.memory_space<vmem>> -> memref<128xi32, #tpu.memory_space<vmem>>
          %dma_wait3A_124 = arith.constant 0 : i32
          %dma_wait3A_125 = arith.constant 0 : i32
          %dma_wait3A_126 = tpu.memref_slice %arg11[%dma_wait3A_124, %dma_wait3A_125] : memref<10112x128xf32, #tpu.memory_space<vmem_shared>> -> memref<10112x128xf32, #tpu.memory_space<vmem_shared>>
          tpu.wait_indirect_dma semaphore(%run_scoped3A_115 : memref<!tpu.dma_semaphore, #tpu.memory_space<semaphore_mem>>) src(%arg10 : memref<128x128xf32, #tpu.memory_space<vmem>>) dst(%dma_wait3A_126 : memref<10112x128xf32, #tpu.memory_space<vmem_shared>>)
          tpu.yield
        }) : () -> ()
      } else {
      }
      %lt3A_96 = arith.cmpi slt, %add3A_86, %select_n3A : i32
      %convert_element_type3A_97 = arith.extui %lt3A_96 : i1 to i32
      %cond3A_98 = arith.constant 0 : i32
      %cond3A_99 = arith.cmpi ne, %convert_element_type3A_97, %cond3A_98 : i32
      scf.if %cond3A_99 {
        %add3A_109 = arith.addi %add3A_23, %add3A_86 : i32
        %mul3A_110 = arith.constant 128 : i32
        %mul3A_111 = arith.muli %add3A_109, %mul3A_110 : i32
        %multiple_of3A_112 = tpu.assume_multiple %mul3A_111, 128 : i32
        %dma_start3A = arith.constant 0 : i32
        %dma_start3A_113 = tpu.memref_slice %arg3[%dma_start3A, %multiple_of3A_112] : memref<2x320000xi32, #tpu.memory_space<hbm>> -> memref<2x128xi32, #tpu.memory_space<hbm>>
        %dma_start3A_114 = arith.constant 0 : i32
        %dma_start3A_115 = tpu.memref_slice %arg3[%dma_start3A_114, %multiple_of3A_112] : memref<2x320000xi32, #tpu.memory_space<hbm>> -> memref<2x128xi32, #tpu.memory_space<hbm>>
        tpu.enqueue_dma source(%dma_start3A_115 : memref<2x128xi32, #tpu.memory_space<hbm>>) target(%arg7 : memref<2x128xi32, #tpu.memory_space<vmem>>) target_semaphore(%arg14 : memref<!tpu.dma_semaphore, #tpu.memory_space<semaphore_mem>>)
      } else {
      }
      %ge3A_100 = arith.constant 1 : i32
      %ge3A_101 = arith.cmpi sge, %add3A_86, %ge3A_100 : i32
      %add3A_102 = arith.constant 1 : i32
      %add3A_103 = arith.addi %select_n3A, %add3A_102 : i32
      %lt3A_104 = arith.cmpi slt, %add3A_86, %add3A_103 : i32
      %and3A_105 = arith.andi %ge3A_101, %lt3A_104 : i1
      %convert_element_type3A_106 = arith.extui %and3A_105 : i1 to i32
      %cond3A_107 = arith.constant 0 : i32
      %cond3A_108 = arith.cmpi ne, %convert_element_type3A_106, %cond3A_107 : i32
      scf.if %cond3A_108 {
        %add3A_109 = arith.addi %add3A_23, %add3A_86 : i32
        %sub3A = arith.constant 1 : i32
        %sub3A_110 = arith.subi %add3A_109, %sub3A : i32
        %mul3A_111 = arith.constant 128 : i32
        %mul3A_112 = arith.muli %sub3A_110, %mul3A_111 : i32
        %multiple_of3A_113 = tpu.assume_multiple %mul3A_112, 128 : i32
        %dma_wait3A = arith.constant 0 : i32
        %dma_wait3A_114 = tpu.memref_slice %arg3[%dma_wait3A, %multiple_of3A_113] : memref<2x320000xi32, #tpu.memory_space<hbm>> -> memref<2x128xi32, #tpu.memory_space<hbm>>
        %dma_wait3A_115 = arith.constant 0 : i32
        %dma_wait3A_116 = tpu.memref_slice %arg3[%dma_wait3A_115, %multiple_of3A_113] : memref<2x320000xi32, #tpu.memory_space<hbm>> -> memref<2x128xi32, #tpu.memory_space<hbm>>
        tpu.wait_dma2 semaphore(%arg13 : memref<!tpu.dma_semaphore, #tpu.memory_space<semaphore_mem>>) src(%dma_wait3A_116 : memref<2x128xi32, #tpu.memory_space<hbm>>) dst(%arg6 : memref<2x128xi32, #tpu.memory_space<vmem>>)
        %dma_start3A = arith.constant 0 : i32
        %dma_start3A_117 = arith.constant 0 : i32
        %dma_start3A_118 = tpu.memref_slice %arg6[%dma_start3A, %dma_start3A_117] : memref<2x128xi32, #tpu.memory_space<vmem>> -> memref<1x128xi32, #tpu.memory_space<vmem>>
        %dma_start3A_119 = tpu.memref_squeeze %dma_start3A_118 : memref<1x128xi32, #tpu.memory_space<vmem>> -> memref<128xi32, #tpu.memory_space<vmem>>
        %dma_start3A_120 = arith.constant 0 : i32
        %dma_start3A_121 = arith.constant 0 : i32
        %dma_start3A_122 = tpu.memref_slice %arg2[%dma_start3A_120, %dma_start3A_121] : memref<10000x128xf32, #tpu.memory_space<hbm>> -> memref<10000x128xf32, #tpu.memory_space<hbm>>
        tpu.enqueue_indirect_dma source(%dma_start3A_122 : memref<10000x128xf32, #tpu.memory_space<hbm>>) target(%arg9 : memref<128x128xf32, #tpu.memory_space<vmem>>) offsets(%dma_start3A_119 : memref<128xi32, #tpu.memory_space<vmem>>) semaphore(%arg16 : memref<!tpu.dma_semaphore, #tpu.memory_space<semaphore_mem>>)
      } else {
      }
    }
    %scan3A_29 = arith.constant 28 : i32
    %barrier3A_30 = arith.constant 0 : index
    tpu.barrier barrier_id(%barrier3A_30)
    %mul3A_31 = arith.constant 10112 : i32
    %mul3A_32 = arith.muli %arg0, %mul3A_31 : i32
    %add3A_33 = arith.addi %mul3A_32, %mul3A_7 : i32
    %multiple_of3A = tpu.assume_multiple %add3A_33, 8 : i32
    "tpu.region"() ({
      %run_scoped3A = tpu.sem_alloc : memref<!tpu.dma_semaphore, #tpu.memory_space<semaphore_mem>>
      %dma_start3A = arith.constant 0 : i32
      %dma_start3A_34 = tpu.memref_slice %arg4[%multiple_of3A, %dma_start3A] : memref<20224x128xf32, #tpu.memory_space<hbm>> -> memref<632x128xf32, #tpu.memory_space<hbm>>
      %dma_start3A_35 = arith.constant 0 : i32
      %dma_start3A_36 = tpu.memref_slice %arg11[%mul3A_7, %dma_start3A_35] : memref<10112x128xf32, #tpu.memory_space<vmem_shared>> -> memref<632x128xf32, #tpu.memory_space<vmem_shared>>
      tpu.enqueue_dma source(%dma_start3A_36 : memref<632x128xf32, #tpu.memory_space<vmem_shared>>) target(%dma_start3A_34 : memref<632x128xf32, #tpu.memory_space<hbm>>) target_semaphore(%run_scoped3A : memref<!tpu.dma_semaphore, #tpu.memory_space<semaphore_mem>>)
      %dma_wait3A = arith.constant 0 : i32
      %dma_wait3A_37 = tpu.memref_slice %arg4[%multiple_of3A, %dma_wait3A] : memref<20224x128xf32, #tpu.memory_space<hbm>> -> memref<632x128xf32, #tpu.memory_space<hbm>>
      %dma_wait3A_38 = arith.constant 0 : i32
      %dma_wait3A_39 = tpu.memref_slice %arg11[%mul3A_7, %dma_wait3A_38] : memref<10112x128xf32, #tpu.memory_space<vmem_shared>> -> memref<632x128xf32, #tpu.memory_space<vmem_shared>>
      tpu.wait_dma2 semaphore(%run_scoped3A : memref<!tpu.dma_semaphore, #tpu.memory_space<semaphore_mem>>) src(%dma_wait3A_39 : memref<632x128xf32, #tpu.memory_space<vmem_shared>>) dst(%dma_wait3A_37 : memref<632x128xf32, #tpu.memory_space<hbm>>)
      tpu.yield
    }) : () -> ()
    return
  }
}

module attributes {stable_mosaic.version = 14 : i64} {
  func.func @_scale_body(%arg0: i32, %arg1: memref<10000x128xf32, #tpu.memory_space<vmem>>, %arg2: memref<1x10000xf32, #tpu.memory_space<vmem>>, %arg3: memref<10000x128xf32, #tpu.memory_space<vmem>>) attributes {dimension_semantics = [#tpu.dimension_semantics<arbitrary>], iteration_bounds = array<i64: 1>, scalar_prefetch = 0 : i64, scratch_operands = 0 : i64, tpu.core_type = #tpu.core_type<tc>, window_params = [{pipeline_mode = #tpu.pipeline_mode<synchronous>, transform_indices = @transform_0, window_bounds = array<i64: 10000, 128>}, {pipeline_mode = #tpu.pipeline_mode<synchronous>, transform_indices = @transform_1, window_bounds = array<i64: 1, 10000>}, {pipeline_mode = #tpu.pipeline_mode<synchronous>, transform_indices = @transform_2, window_bounds = array<i64: 10000, 128>}]} {
    %get3A = arith.constant 0 : index
    %get3A_0 = arith.constant 0 : index
    %get3A_1 = vector.load %arg2[%get3A, %get3A_0] : memref<1x10000xf32, #tpu.memory_space<vmem>>, vector<1x10000xf32>
    %transpose3A = tpu.transpose %get3A_1, [1, 0] : vector<1x10000xf32> -> vector<10000x1xf32>
    %get3A_2 = arith.constant 0 : index
    %get3A_3 = arith.constant 0 : index
    %get3A_4 = vector.load %arg1[%get3A_2, %get3A_3] : memref<10000x128xf32, #tpu.memory_space<vmem>>, vector<10000x128xf32>
    %mul3A = vector.broadcast %transpose3A : vector<10000x1xf32> to vector<10000x128xf32>
    %mul3A_5 = arith.mulf %get3A_4, %mul3A : vector<10000x128xf32>
    %swap3A = arith.constant 0 : index
    %swap3A_6 = arith.constant 0 : index
    %swap3A_7 = vector.load %arg3[%swap3A, %swap3A_6] : memref<10000x128xf32, #tpu.memory_space<vmem>>, vector<10000x128xf32>
    tpu.vector_store %arg3[%swap3A, %swap3A_6], %mul3A_5 {strides = array<i32>} : memref<10000x128xf32, #tpu.memory_space<vmem>>, vector<10000x128xf32>,
    return
  }
  func.func @transform_0(%arg0: i32) -> (i32, i32) {
    %c0_i32 = arith.constant 0 : i32
    %c0_i32_0 = arith.constant 0 : i32
    %c0_i32_1 = arith.constant 0 : i32
    return %c0_i32, %c0_i32_0 : i32, i32
  }
  func.func @transform_1(%arg0: i32) -> (i32, i32) {
    %c0_i32 = arith.constant 0 : i32
    %c0_i32_0 = arith.constant 0 : i32
    %c0_i32_1 = arith.constant 0 : i32
    return %c0_i32, %c0_i32_0 : i32, i32
  }
  func.func @transform_2(%arg0: i32) -> (i32, i32) {
    %c0_i32 = arith.constant 0 : i32
    %c0_i32_0 = arith.constant 0 : i32
    %c0_i32_1 = arith.constant 0 : i32
    return %c0_i32, %c0_i32_0 : i32, i32
  }
}

module attributes {stable_mosaic.version = 14 : i64} {
  func.func @_combine_body(%arg0: i32, %arg1: memref<2xf32, #tpu.memory_space<smem>>, %arg2: memref<1x10000x128xf32, #tpu.memory_space<vmem>>, %arg3: memref<1x10000x128xf32, #tpu.memory_space<vmem>>, %arg4: memref<1x10000xf32, #tpu.memory_space<vmem>>, %arg5: memref<10000x128xf32, #tpu.memory_space<vmem>>, %arg6: memref<128x128xf32, #tpu.memory_space<vmem>>, %arg7: memref<10000x128xf32, #tpu.memory_space<vmem>>) attributes {dimension_semantics = [#tpu.dimension_semantics<arbitrary>], iteration_bounds = array<i64: 1>, scalar_prefetch = 0 : i64, scratch_operands = 0 : i64, tpu.core_type = #tpu.core_type<tc>, window_params = [{transform_indices = @transform_0, window_bounds = array<i64: 2>}, {transform_indices = @transform_1, window_bounds = array<i64: 1, 10000, 128>}, {transform_indices = @transform_2, window_bounds = array<i64: 1, 10000, 128>}, {pipeline_mode = #tpu.pipeline_mode<synchronous>, transform_indices = @transform_3, window_bounds = array<i64: 1, 10000>}, {pipeline_mode = #tpu.pipeline_mode<synchronous>, transform_indices = @transform_4, window_bounds = array<i64: 10000, 128>}, {pipeline_mode = #tpu.pipeline_mode<synchronous>, transform_indices = @transform_5, window_bounds = array<i64: 128, 128>}, {pipeline_mode = #tpu.pipeline_mode<synchronous>, transform_indices = @transform_6, window_bounds = array<i64: 10000, 128>}]} {
    %get3A = arith.constant 0 : index
    %get3A_0 = memref.load %arg1[%get3A] : memref<2xf32, #tpu.memory_space<smem>>
    %get3A_1 = arith.constant 1 : index
    %get3A_2 = memref.load %arg1[%get3A_1] : memref<2xf32, #tpu.memory_space<smem>>
    %get3A_3 = arith.constant 0 : index
    %get3A_4 = arith.constant 0 : index
    %get3A_5 = arith.constant 0 : index
    %get3A_6 = vector.load %arg2[%get3A_3, %get3A_4, %get3A_5] : memref<1x10000x128xf32, #tpu.memory_space<vmem>>, vector<1x10000x128xf32>
    %get3A_7 = vector.shape_cast %get3A_6 : vector<1x10000x128xf32> to vector<10000x128xf32>
    %get3A_8 = arith.constant 0 : index
    %get3A_9 = arith.constant 0 : index
    %get3A_10 = arith.constant 0 : index
    %get3A_11 = vector.load %arg3[%get3A_8, %get3A_9, %get3A_10] : memref<1x10000x128xf32, #tpu.memory_space<vmem>>, vector<1x10000x128xf32>
    %get3A_12 = vector.shape_cast %get3A_11 : vector<1x10000x128xf32> to vector<10000x128xf32>
    %add3A = arith.addf %get3A_7, %get3A_12 : vector<10000x128xf32>
    %get3A_13 = arith.constant 0 : index
    %get3A_14 = arith.constant 0 : index
    %get3A_15 = vector.load %arg4[%get3A_13, %get3A_14] : memref<1x10000xf32, #tpu.memory_space<vmem>>, vector<1x10000xf32>
    %transpose3A = tpu.transpose %get3A_15, [1, 0] : vector<1x10000xf32> -> vector<10000x1xf32>
    %sub3A = arith.constant 1.000000e+00 : f32
    %sub3A_16 = arith.subf %sub3A, %get3A_2 : f32
    %mul3A = vector.broadcast %transpose3A : vector<10000x1xf32> to vector<10000x128xf32>
    %mul3A_17 = arith.mulf %add3A, %mul3A : vector<10000x128xf32>
    %mul3A_18 = vector.broadcast %sub3A_16 : f32 to vector<10000x128xf32>
    %mul3A_19 = arith.mulf %mul3A_18, %mul3A_17 : vector<10000x128xf32>
    %get3A_20 = arith.constant 0 : index
    %get3A_21 = arith.constant 0 : index
    %get3A_22 = vector.load %arg5[%get3A_20, %get3A_21] : memref<10000x128xf32, #tpu.memory_space<vmem>>, vector<10000x128xf32>
    %mul3A_23 = vector.broadcast %get3A_2 : f32 to vector<10000x128xf32>
    %mul3A_24 = arith.mulf %mul3A_23, %get3A_22 : vector<10000x128xf32>
    %add3A_25 = arith.addf %mul3A_19, %mul3A_24 : vector<10000x128xf32>
    %get3A_26 = arith.constant 0 : index
    %get3A_27 = arith.constant 0 : index
    %get3A_28 = vector.load %arg6[%get3A_26, %get3A_27] : memref<128x128xf32, #tpu.memory_space<vmem>>, vector<128x128xf32>
    %dot_general3A = arith.constant dense<0.000000e+00> : vector<10000x128xf32>
    %dot_general3A_29 = tpu.matmul %add3A_25, %get3A_28, %dot_general3A {dimension_numbers = #tpu.dot_dimension_numbers<[1], [0], [0], [1], [0, 0, 1, 1], [], []>, transpose_lhs_hint = false} : vector<10000x128xf32>, vector<128x128xf32>, vector<10000x128xf32> -> vector<10000x128xf32>
    %mul3A_30 = vector.broadcast %get3A_0 : f32 to vector<10000x128xf32>
    %mul3A_31 = arith.mulf %mul3A_30, %dot_general3A_29 : vector<10000x128xf32>
    %sub3A_32 = arith.constant 1.000000e+00 : f32
    %sub3A_33 = arith.subf %sub3A_32, %get3A_0 : f32
    %mul3A_34 = vector.broadcast %sub3A_33 : f32 to vector<10000x128xf32>
    %mul3A_35 = arith.mulf %mul3A_34, %add3A_25 : vector<10000x128xf32>
    %add3A_36 = arith.addf %mul3A_31, %mul3A_35 : vector<10000x128xf32>
    %swap3A = arith.constant 0 : index
    %swap3A_37 = arith.constant 0 : index
    %swap3A_38 = vector.load %arg7[%swap3A, %swap3A_37] : memref<10000x128xf32, #tpu.memory_space<vmem>>, vector<10000x128xf32>
    tpu.vector_store %arg7[%swap3A, %swap3A_37], %add3A_36 {strides = array<i32>} : memref<10000x128xf32, #tpu.memory_space<vmem>>, vector<10000x128xf32>,
    return
  }
  func.func @transform_0(%arg0: i32) -> i32 {
    %c0_i32 = arith.constant 0 : i32
    %c0_i32_0 = arith.constant 0 : i32
    return %c0_i32 : i32
  }
  func.func @transform_1(%arg0: i32) -> (i32, i32, i32) {
    %c0_i32 = arith.constant 0 : i32
    %c0_i32_0 = arith.constant 0 : i32
    %c0_i32_1 = arith.constant 0 : i32
    %c0_i32_2 = arith.constant 0 : i32
    return %c0_i32, %c0_i32_0, %c0_i32_1 : i32, i32, i32
  }
  func.func @transform_2(%arg0: i32) -> (i32, i32, i32) {
    %c1_i32 = arith.constant 1 : i32
    %c0_i32 = arith.constant 0 : i32
    %c0_i32_0 = arith.constant 0 : i32
    %c0_i32_1 = arith.constant 0 : i32
    return %c1_i32, %c0_i32, %c0_i32_0 : i32, i32, i32
  }
  func.func @transform_3(%arg0: i32) -> (i32, i32) {
    %c0_i32 = arith.constant 0 : i32
    %c0_i32_0 = arith.constant 0 : i32
    %c0_i32_1 = arith.constant 0 : i32
    return %c0_i32, %c0_i32_0 : i32, i32
  }
  func.func @transform_4(%arg0: i32) -> (i32, i32) {
    %c0_i32 = arith.constant 0 : i32
    %c0_i32_0 = arith.constant 0 : i32
    %c0_i32_1 = arith.constant 0 : i32
    return %c0_i32, %c0_i32_0 : i32, i32
  }
  func.func @transform_5(%arg0: i32) -> (i32, i32) {
    %c0_i32 = arith.constant 0 : i32
    %c0_i32_0 = arith.constant 0 : i32
    %c0_i32_1 = arith.constant 0 : i32
    return %c0_i32, %c0_i32_0 : i32, i32
  }
  func.func @transform_6(%arg0: i32) -> (i32, i32) {
    %c0_i32 = arith.constant 0 : i32
    %c0_i32_0 = arith.constant 0 : i32
    %c0_i32_1 = arith.constant 0 : i32
    return %c0_i32, %c0_i32_0 : i32, i32
  }
}

</mosaic_0001>

<sc_bundles>
// kernel: kernel.5.cloned.1.call-start
scs
__scs_entry_jumppad:
0x0: {  	(pc) =	sbr.rel $0x88, $3  }
0x1: {  	(tag) =	ssettag $0x0;
	lr =	simm.s32 $0x1  }
0x2: {  	[smem:$0x3F99] =	sst lr;
	_ =	strace $0xD0000000  }
0x3: {  	_ = 	snop  }
0x4: {  	_ = 	snop  }
0x5: {  	_ = 	snop  }
0x6: {  	_ = 	snop  }
0x7: {  	_ = 	snop  }
__scs_overlays_trampoline_lowered:
0x8: {  	[smem:$0x3FA8] =	sst s0  }
0x9: {  	[smem:$0x3FA9] =	sst s1  }
0xa: {  	[smem:$0x3FAA] =	sst s2  }
0xb: {  	[smem:$0x3FAB] =	sst s3  }
0xc: {  	[smem:$0x3FAC] =	sst s4  }
0xd: {  	[smem:$0x3FAD] =	sst s5  }
0xe: {  	[smem:$0x3FAE] =	sst s6  }
0xf: {  	[smem:$0x3FAF] =	sst s7  }
0x10: {  	[smem:$0x3FB0] =	sst s8  }
0x11: {  	[smem:$0x3FB1] =	sst s9;
	s0 =	simm.s32 @!p0 $0x0  }
0x12: {  	s1 =	sld [smem:$0x3F97];
	s0 =	simm.s32 @p0 $0x1  }
0x13: {  	[smem:$0x3FB2] =	sst s0;
	s0 =	simm.s32 @!p1 $0x0  }
0x14: {  	s2 =	sld [smem:$0x3F96];
	s0 =	simm.s32 @p1 $0x1  }
0x15: {  	[smem:$0x3FB3] =	sst s0;
	s0 =	simm.s32 @!p2 $0x0  }
0x16: {  	s3 =	sld [smem:$0x3FDB];
	s0 =	simm.s32 @p2 $0x1  }
0x17: {  	s4 =	simm.s32 $0x1BF5;
	[smem:$0x3FB5] =	sst s0  }
0x18: {  	s0 =	sld [smem:$0x3F98];
	_ =	swait.ge [sflag:s4], $0x0  }
0x19: {  	s7 =	sld [smem:$0x3F99]  }
0x1a: {  	s8 =	sadd.s32 $0xFFFFE003, lr  }
0x1b: {  	s9 =	sadd.s32 $0xFFFFFEF7, lr;
	s5 =	simm.s32 $0xFFFFFFFF;
	p2 =	slt.u32 s8, $0xFFFFF086  }
0x1c: {  	p1 =	slt.u32 s9, $0xF7A;
	s5 =	simm.s32 @!p2 $0x0  }
0x1d: {  	s5 =	simm.s32 @p1 $0x1;
	p0 =	seq.s32 s7, s2  }
0x1e: {  	s7 =	smul.u32 @!p0 $0xF7A, s2;
	p2 =	seq.s32 @!p0 s5, $0x0  }
0x1f: {  	s9 =	smul.u32 $0xF7A, s1;
	s8 =	simm.s32 @!p0 $0x1BF5;
	p2 =	por !p2, p0  }
0x20: {  	[sflag:s8] =	ssyncset.s32 @!p0 $0xFFFFF086;
	s6 =	sadd.s32 @!p0 s3, s7;
	s7 =	simm.s32 @!p0 $0x108  }
0x21: {  	s3 =	sadd.s32 s3, s9;
	s6 =	sadd.s32 @!p0 $0x88, s6;
	s7 =	simm.s32 @p2 $0x1082  }
0x22: {  	[simem:s7], [sflag:s8] =	dma.local @!p0 [hbm:s6], $0xF7A  }
0x23: {  	s9 =	sor.u32 $0xD0000000, s2;
	s6 =	simm.s32 $0x108;
	_ =	swait.ge @!p0 [sflag:s8], $0x0  }
0x24: {  	s3 =	sadd.s32 $0x88, s3;
	s6 =	simm.s32 @!p1 $0x1082;
	[sflag:s4] =	ssyncset.s32 $0xFFFFF086  }
0x25: {  	[simem:s6], [sflag:s4] =	dma.local [hbm:s3], $0xF7A  }
0x26: {  	[smem:$0x3F99] =	sst s1;
	(tag) =	ssettag s2;
	_ =	strace s9  }
0x27: {  	s1 =	sld [smem:$0x3FA9]  }
0x28: {  	s2 =	sld [smem:$0x3FAA]  }
0x29: {  	s4 =	sld [smem:$0x3FAC]  }
0x2a: {  	p0 =	seq.s32 s5, $0x0;
	s5 =	sld [smem:$0x3FAD]  }
0x2b: {  	s6 =	sld [smem:$0x3FAE]  }
0x2c: {  	s7 =	sld [smem:$0x3FAF]  }
0x2d: {  	s3 =	simm.s32 $0x108;
	s8 =	sld [smem:$0x3FB0]  }
0x2e: {  	s3 =	simm.s32 @!p0 $0x1082;
	s9 =	sld [smem:$0x3FB1]  }
0x2f: {  	lr =	sadd.s32 s0, s3;
	s0 =	sld [smem:$0x3FA8]  }
0x30: {  	s3 =	sld [smem:$0x3FAB]  }
0x31: {  	[smem:$0x3FB4] =	sst s10  }
0x32: {  	s10 =	sld [smem:$0x3FB2];
	_ =	sdelay $0x3  }
0x33: {  	p0 =	seq.s32 s10, $0x1;
	s10 =	sld [smem:$0x3FB4];
	_ =	sdelay $0x3  }
0x34: {  	[smem:$0x3FB4] =	sst s10  }
0x35: {  	s10 =	sld [smem:$0x3FB3];
	_ =	sdelay $0x3  }
0x36: {  	p1 =	seq.s32 s10, $0x1;
	s10 =	sld [smem:$0x3FB4];
	_ =	sdelay $0x3  }
0x37: {  	[smem:$0x3FB4] =	sst s10  }
0x38: {  	s10 =	sld [smem:$0x3FB5]  }
0x39: {  	_ = 	snop;
	(pc) =	sbr.ind lr, $3  }
0x3a: {  	_ = 	snop  }
0x3b: {  	_ = 	snop  }
0x3c: {  	p2 =	seq.s32 s10, $0x1;
	s10 =	sld [smem:$0x3FB4]  }
0x3d: {  	_ =	shalt  }
0x3e: {  	_ =	shalt  }
0x3f: {  	_ =	shalt  }
0x40: {  	_ =	shalt  }
0x41: {  	_ =	shalt  }
0x42: {  	_ =	shalt  }
0x43: {  	_ =	shalt  }
0x44: {  	_ =	shalt  }
0x45: {  	_ =	shalt  }
0x46: {  	_ =	shalt  }
0x47: {  	_ =	shalt  }
0x48: {  	_ =	shalt  }
0x49: {  	_ =	shalt  }
0x4a: {  	_ =	shalt  }
0x4b: {  	_ =	shalt  }
0x4c: {  	_ =	shalt  }
0x4d: {  	_ =	shalt  }
0x4e: {  	_ =	shalt  }
0x4f: {  	_ =	shalt  }
0x50: {  	_ =	shalt  }
0x51: {  	_ =	shalt  }
0x52: {  	_ =	shalt  }
0x53: {  	_ =	shalt  }
0x54: {  	_ =	shalt  }
0x55: {  	_ =	shalt  }
0x56: {  	_ =	shalt  }
0x57: {  	_ =	shalt  }
0x58: {  	_ =	shalt  }
0x59: {  	_ =	shalt  }
0x5a: {  	_ =	shalt  }
0x5b: {  	_ =	shalt  }
0x5c: {  	_ =	shalt  }
0x5d: {  	_ =	shalt  }
0x5e: {  	_ =	shalt  }
0x5f: {  	_ =	shalt  }
0x60: {  	_ =	shalt  }
0x61: {  	_ =	shalt  }
0x62: {  	_ =	shalt  }
0x63: {  	_ =	shalt  }
0x64: {  	_ =	shalt  }
0x65: {  	_ =	shalt  }
0x66: {  	_ =	shalt  }
0x67: {  	_ =	shalt  }
0x68: {  	_ =	shalt  }
0x69: {  	_ =	shalt  }
0x6a: {  	_ =	shalt  }
0x6b: {  	_ =	shalt  }
0x6c: {  	_ =	shalt  }
0x6d: {  	_ =	shalt  }
0x6e: {  	_ =	shalt  }
0x6f: {  	_ =	shalt  }
0x70: {  	_ =	shalt  }
0x71: {  	_ =	shalt  }
0x72: {  	_ =	shalt  }
0x73: {  	_ =	shalt  }
0x74: {  	_ =	shalt  }
0x75: {  	_ =	shalt  }
0x76: {  	_ =	shalt  }
0x77: {  	_ =	shalt  }
0x78: {  	_ =	shalt  }
0x79: {  	_ =	shalt  }
0x7a: {  	_ =	shalt  }
0x7b: {  	_ =	shalt  }
0x7c: {  	_ =	shalt  }
0x7d: {  	_ =	shalt  }
0x7e: {  	_ =	shalt  }
0x7f: {  	_ =	shalt  }
0x80: {  	_ =	shalt  }
0x81: {  	_ =	shalt  }
0x82: {  	_ =	shalt  }
0x83: {  	_ =	shalt  }
0x84: {  	_ =	shalt  }
0x85: {  	_ =	shalt  }
0x86: {  	_ =	shalt  }
0x87: {  	_ =	shalt  }
.Lfunc_end0:
.L_simem_size_0:
called_computation_lowered:
.L_overlay_start_0:
0x88: {  	s2 =	sld [smem:$0x3FD9]  }
0x89: {  	s3 =	sld [smem:$0x3FFE];
	_ =	sdelay $0x1  }
0x8a: {  	s1 =	srdreg.scid  }
0x8b: {  	s0 =	sand.u32 $0x1, s1  }
0x8c: {  	s17 =	sshll.u32 s0, $0xA;
	s2 =	sadd.s32 s3, s2  }
0x8d: {  	s2 =	sadd.s32 s2, s17  }
0x8e: {  	[smem:$0x3FC0] =	sst s2  }
0x8f: {  	_ = 	snop  }
0x90: {  	s2 =	sld [smem:$0x3FC8]  }
0x91: {  	s18 =	sld [smem:$0x3FD0];
	(tm) =	ssettm $0x1  }
0x92: {  	s4 =	sld [smem:$0x3FFB];
	_ =	sdelay $0x3  }
0x93: {  	_ =	strace s4  }
0x94: {  	s4 =	sld [smem:$0x3FFC];
	_ =	sdelay $0x3  }
0x95: {  	_ =	strace s4  }
0x96: {  	s4 =	sld [smem:$0x3FFD];
	_ =	sdelay $0x3  }
0x97: {  	_ =	strace s4  }
0x98: {  	_ =	strace $0x8FFFFFFF  }
0x99: {  	s19 =	sld [smem:$0x3FDB];
	_ =	sdelay $0x1  }
0x9a: {  	s5 =	simm.s32 $_scs_section_size  }
0x9b: {  	s6 =	simm.s32 $_size__tile_overlayer_lowered;
	s7 =	simm.s32 $_tile_overlayer_lowered  }
0x9c: {  	s22 =	simm.s32 $0x1BFF;
	s21 =	sshll.u32 s7, $0x1;
	s4 =	sadd.s32 s5, s19  }
0x9d: {  	s8 =	simm.s32 $0x0;
	s20 =	sshll.u32 s6, $0x1;
	s6 =	sadd.s32 s21, s4  }
0x9e: {  	[timem:s8], [sflag:s22] =	dma.local [hbm:s6], s20  }
0x9f: {  	_ =	swait.ge [sflag:s22], s20  }
0xa0: {  	s5 =	ssub.s32 $0x0, s20;
	[sflag:s22] =	ssyncset.done $0x0  }
0xa1: {  	[sflag:s22] =	ssyncadd.s32 s5;
	_ =	sdelay $0x1  }
0xa2: {  	s23 =	simm.s32 $0x1B8B  }
0xa3: {  	_ =	swait.ge [sflag:s23], $0x1  }
0xa4: {  	[sflag:s23] =	ssyncset.done $0x0  }
0xa5: {  	s25 =	simm.s32 $0x1B8E;
	s24 =	sld [smem:$0x3FFE];
	[sflag:s23] =	ssyncadd.s32 $0xFFFFFFFF  }
0xa6: {  	s26 =	simm.s32 $execute0_lowered;
	[smem:$0x3FD2] =	sst s25  }
0xa7: {  	s6 =	sshll.u32 s26, $0x1;
	_ =	strace $0x80000046;
	[dreg:$0x1] =	wrdreg $0xFFFFFFFF  }
0xa8: {  	s28 =	simm.s32 $_size_execute0_lowered;
	s4 =	sadd.s32 s4, s6;
	[dreg:$0x0] =	wrdreg $0x0  }
0xa9: {  	s6 =	sshll.u32 s28, $0x1;
	[dreg:$0x2] =	wrdreg s4  }
0xaa: {  	[dreg:$0x3] =	wrdreg s6  }
0xab: {  	[dreg:$0x4] =	wrdreg $0xC0  }
0xac: {  	_ =	task [dreg:s8], $0x5FFFF  }
0xad: {  	[dreg:$0x1] =	wrdreg $0xFFFFFFFF  }
0xae: {  	[dreg:$0x0] =	wrdreg $0x60  }
0xaf: {  	[dreg:$0x2] =	wrdreg s18  }
0xb0: {  	[dreg:$0x3] =	wrdreg s2  }
0xb1: {  	[dreg:$0x4] =	wrdreg s24  }
0xb2: {  	[dreg:$0x5] =	wrdreg $0xC3000  }
0xb3: {  	[dreg:$0x6] =	wrdreg $0x9  }
0xb4: {  	_ =	task.clear_ibuf [dreg:s8], $0x7FFFF;
	_ =	strace $0x90000046  }
0xb5: {  	s29 =	simm.s32 $0x9;
	_ =	strace $0x80000048  }
0xb6: {  	_ =	swait.ge [sflag:s29], $0x1  }
0xb7: {  	[sflag:s29] =	ssyncadd.s32 $0xFFFFFFFF  }
0xb8: {  	_ =	strace $0x90000048  }
0xb9: {  	_ =	sfence  }
0xba: {  	s30 =	sld [smem:$0x0];
	_ =	sdelay $0x2  }
0xbb: {  	s31 =	sshll.u32 s1, $0xD;
	s1 =	sshrl.u32 s1, $0x2  }
0xbc: {  	s3 =	sand.u32 $0x4000, s31;
	s1 =	sadd.s32 s1, s30  }
0xbd: {  	s0 =	sor.u32 s3, s0;
	s1 =	sshll.u32 s1, $0x11  }
0xbe: {  	s0 =	sor.u32 s1, s0  }
0xbf: {  	s0 =	sadd.s32 $0x8F2B, s0  }
0xc0: {  	[sflag:s0] =	ssyncadd.remote.s32 $0x1  }
0xc1: {  	_ =	sfence.sel $0xFFFF  }
0xc2: {  	[dreg:$0x0] =	wrdreg $0xFFFFFFFF;
	(pc) =	sbr.abs _section_cstart, $3  }
0xc3: {  	[dreg:$0x1] =	wrdreg $0xFFFFFFFF  }
0xc4: {  	_ =	task.clear_ibuf [dreg:s8], $0x2FFFF;
	_ =	strace $0x9FFFFFFF  }
0xc5: {  	(tm) =	ssettm $0x7FFFFFFF  }
tec
execute0_lowered:
.L_overlay_start_1:
0x0: {  	(tag) =	ssettag $0x1  }
0x1: {  	s1 =	rddreg [dreg:$0x0]  }
0x2: {  	s0 =	rddreg [dreg:$0x1];
	s2 =	srdreg.scid  }
0x3: {  	s11 =	stileid.u32;
	s5 =	rddreg [dreg:$0x2]  }
0x4: {  	s3 =	rddreg [dreg:$0x3];
	s6 =	smul.u32 $0x2780, s11  }
0x5: {  	s4 =	simm.s32 $0x0;
	s17 =	simm.s32 $0x300;
	s23 =	smul.u32 $0x4F000, s11  }
0x6: {  	s2 =	sand.u32 $0x1, s2;
	[smem:$0x7FF] =	sst s4;
	s10 =	smul.u32 $0x4E, s11  }
0x7: {  	s18 =	simm.s32 $0x7;
	s7 =	smul.u32 $0x27800, s2;
	_ =	strace $0x80000047  }
0x8: {  	s24 =	ssub.s32 $0x2, s2;
	s9 =	smul.u32 $0x4E0, s2;
	s2 =	sshll.u32 s2, $0x4  }
0x9: {  	s8 =	sshrl.u32 s24, $0x1;
	s25 =	sshrl.u32 s23, $0x2;
	s2 =	sor.u32 s11, s2  }
0xa: {  	s6 =	sadd.s32 s6, s7;
	s14 =	ssub.s32 s24, s8;
	s9 =	sadd.s32 s10, s9  }
0xb: {  	s29 =	smin.u32 s2, $0x4;
	p0 =	slt.u32 s2, $0x4;
	s8 =	simm.s32 $0x4F  }
0xc: {  	s13 =	sadd.s32 s6, s5;
	s5 =	sadd.s32 s25, s3;
	s30 =	sadd.s32 s29, s9  }
0xd: {  	s8 =	simm.s32 @!p0 $0x4E;
	s14 =	smax.u32 s14, $0x1;
	s26 =	sadd.s32 $0x4000, s5  }
0xe: {  	s28 =	sadd.s32 $0x8000, s5;
	s31 =	sadd.s32 $0xC000, s5;
	s2 =	sshll.u32 s30, $0x5  }
0xf: {  	s10 =	sadd.s32 $0x10000, s5;
	s11 =	sadd.s32 $0x3, s8;
	[dreg:$0x5] =	wrdreg s26  }
0x10: {  	s13 =	sadd.s32 $0x1400, s13;
	[dreg:$0x6] =	wrdreg s28;
	s12 =	sadd.s32 s2, s0  }
0x11: {  	v0 =	vimm.f32 $0.0e+00;
	[dreg:$0x7] =	wrdreg s31;
	s15 =	sadd.s32 $0x40, s12;
	s16 =	sadd.s32 $0x20, s12  }
.LBB2_1:
0x12: {  	s2 =	simm.s32 $0x0;
	s0 =	simm.s32 $0x200  }
.LBB2_2:
0x13: {  	p0 =	sne.s32 s0, $0xFE00;
	[tilespmem:s2+$0x370] =	vst v0  }
0x14: {  	[tilespmem:s2+$0x300] =	vst v0  }
0x15: {  	[tilespmem:s2+$0x310] =	vst v0  }
.Ltmp0:
0x16: {  	[tilespmem:s2+$0x320] =	vst v0;
	(pc) =	sbr.rel @p0 .LBB2_2-.Ltmp0, $4  }
0x17: {  	[tilespmem:s2+$0x330] =	vst v0  }
0x18: {  	[tilespmem:s2+$0x340] =	vst v0  }
0x19: {  	[tilespmem:s2+$0x350] =	vst v0  }
0x1a: {  	[tilespmem:s2+$0x360] =	vst v0;
	s2 =	sshra.s32 s0, $0x2;
	s0 =	sadd.s32 $0x200, s0  }
0x1b: {  	[tilespmem:s2+$0x370] =	vst v0  }
0x1c: {  	[tilespmem:s2+$0x300] =	vst v0  }
0x1d: {  	[tilespmem:s2+$0x310] =	vst v0  }
0x1e: {  	[tilespmem:s2+$0x320] =	vst v0  }
0x1f: {  	[tilespmem:s2+$0x330] =	vst v0  }
0x20: {  	[tilespmem:s2+$0x340] =	vst v0  }
0x21: {  	[tilespmem:s2+$0x350] =	vst v0  }
0x22: {  	[tilespmem:s2+$0x360] =	vst v0  }
0x23: {  	[spmem:s5] =	stream.linear.scatter [tilespmem:s17], [sflag:$0x7], $0x4000, $0x38;
	[tilespmem:$0x1FF00] =	vst v63  }
0x24: {  	_ =	swait.ge [sflag:s18], $0x4000  }
0x25: {  	[sflag:s18] =	ssyncset.done $0x0  }
0x26: {  	s0 =	rddreg [dreg:$0x5];
	[sflag:s18] =	ssyncadd.s32 $0xFFFFC000  }
0x27: {  	[spmem:s0] =	stream.linear.scatter [tilespmem:s17], [sflag:$0x7], $0x4000, $0x38;
	[tilespmem:$0x1FF00] =	vst v63  }
0x28: {  	_ =	swait.ge [sflag:s18], $0x4000  }
0x29: {  	[sflag:s18] =	ssyncset.done $0x0  }
0x2a: {  	s28 =	rddreg [dreg:$0x6];
	[sflag:s18] =	ssyncadd.s32 $0xFFFFC000  }
0x2b: {  	[spmem:s28] =	stream.linear.scatter [tilespmem:s17], [sflag:$0x7], $0x4000, $0x38;
	[tilespmem:$0x1FF00] =	vst v63  }
0x2c: {  	_ =	swait.ge [sflag:s18], $0x4000  }
0x2d: {  	[sflag:s18] =	ssyncset.done $0x0  }
0x2e: {  	s30 =	rddreg [dreg:$0x7];
	[sflag:s18] =	ssyncadd.s32 $0xFFFFC000  }
0x2f: {  	[spmem:s30] =	stream.linear.scatter [tilespmem:s17], [sflag:$0x7], $0x4000, $0x38;
	[tilespmem:$0x1FF00] =	vst v63  }
0x30: {  	_ =	swait.ge [sflag:s18], $0x4000  }
0x31: {  	[sflag:s18] =	ssyncset.done $0x0  }
0x32: {  	[sflag:s18] =	ssyncadd.s32 $0xFFFFC000  }
0x33: {  	[spmem:s10] =	stream.linear.scatter [tilespmem:s17], [sflag:$0x7], $0x3C00, $0x38;
	[tilespmem:$0x1FF00] =	vst v63  }
0x34: {  	p0 =	por $0x1, $0x1;
	_ =	swait.ge [sflag:s18], $0x3C00  }
0x35: {  	p1 =	sle.u32 @!p0 s11, $0x0;
	[sflag:s18] =	ssyncset.done $0x0  }
0x36: {  	s21 =	simm.s32 $0x3;
	p1 =	por p1, p0;
	[sflag:s18] =	ssyncadd.s32 $0xFFFFC400  }
0x37: {  	p2 =	sle.u32 s8, $0x0;
	s0 =	simm.s32 @!p1 $0x4;
	[bflag:$0x0] =	sbarrier.arrive $0xFFFF  }
0x38: {  	p5 =	slt.u32 s8, $0x2;
	s24 =	simm.s32 $0x6;
	_ =	swait.ge @!p1 [sflag:s0], $0x4000  }
0x39: {  	p6 =	slt.u32 s8, $0x5;
	s2 =	simm.s32 @!p1 $0x300;
	[sflag:s0] =	ssyncset.done @!p1 $0x0  }
0x3a: {  	s19 =	simm.s32 @!p1 $0x7;
	[sflag:s0] =	ssyncadd.s32 @!p1 $0xFFFFC000;
	s0 =	simm.s32 @!p1 $0x80  }
0x3b: {  	[spmem:s3] =	stream.indirect.scatter.add.f32 @!p1 [tilespmem:s2], [sflag:$0x7], $0x80, s0, s0, $0xb8;
	[tilespmem:$0x1FF00] =	vst v63  }
0x3c: {  	p4 =	sle.u32 @!p0 s11, $0x1;
	p3 =	slt.u32 @!p0 s8, $0x0;
	_ =	swait.ge @!p1 [sflag:s19], $0x4000  }
0x3d: {  	p5 =	por p5, p5;
	p3 =	por p3, p0;
	[sflag:s19] =	ssyncset.done @!p1 $0x0  }
0x3e: {  	s0 =	simm.s32 @!p3 $0x3;
	s2 =	simm.s32 @!p2 $0x0;
	[sflag:s19] =	ssyncadd.s32 @!p1 $0xFFFFC000  }
0x3f: {  	[tilespmem:s2], [sflag:$0x1] =	stream.linear.gather @!p2 [hbm4b:s12+s2], $0x100, $0x38;
	[tilespmem:$0x1FF00] =	vst v63  }
0x40: {  	s23 =	simm.s32 @!p2 $0x1;
	s22 =	simm.s32 @!p3 $0x200;
	_ =	swait.ge @!p3 [sflag:s0], $0x100  }
0x41: {  	p1 =	por p4, p0;
	s19 =	simm.s32 @!p3 $0x80;
	[sflag:s0] =	ssyncset.done @!p3 $0x0  }
0x42: {  	s20 =	simm.s32 @!p1 $0x5;
	[sflag:s0] =	ssyncadd.s32 @!p3 $0xFFFFFF00;
	s0 =	simm.s32 @!p3 $0x8300  }
0x43: {  	[tilespmem:s0], [sflag:$0x6] =	stream.indirect.gather @!p3 [hbm4b:s1+s19], $0x80, s22, s19, $0xb8;
	[tilespmem:$0x1FF00] =	vst v63  }
0x44: {  	p4 =	sle.u32 @!p0 s11, $0x2;
	s0 =	simm.s32 @!p1 $0x80;
	_ =	swait.ge @!p1 [sflag:s20], $0x4000  }
0x45: {  	s19 =	simm.s32 @!p1 $0x180;
	s22 =	simm.s32 @!p1 $0x7;
	[sflag:s20] =	ssyncset.done @!p1 $0x0  }
0x46: {  	p3 =	por p5, p5;
	[sflag:s20] =	ssyncadd.s32 @!p1 $0xFFFFC000;
	s20 =	simm.s32 @!p1 $0x4300  }
0x47: {  	[spmem:s3] =	stream.indirect.scatter.add.f32 @!p1 [tilespmem:s20], [sflag:$0x7], $0x80, s19, s0, $0xb8;
	[tilespmem:$0x1FF00] =	vst v63  }
0x48: {  	p5 =	por p6, p6;
	s29 =	simm.s32 @!p3 $0x4300;
	_ =	swait.ge @!p1 [sflag:s22], $0x4000  }
0x49: {  	s31 =	simm.s32 @!p3 $0x100;
	s0 =	simm.s32 @!p5 $0x0;
	[sflag:s22] =	ssyncset.done @!p1 $0x0  }
0x4a: {  	s0 =	simm.s32 @p5 $0x1;
	[sflag:s22] =	ssyncadd.s32 @!p1 $0xFFFFC000;
	p1 =	sle.u32 s8, $0x1  }
0x4b: {  	[smem:$0x7FD] =	sst s0;
	s0 =	simm.s32 @!p1 $0x100;
	s20 =	simm.s32 @!p1 $0x0  }
0x4c: {  	[tilespmem:s0], [sflag:$0x2] =	stream.linear.gather @!p1 [hbm4b:s16+s20], $0x100, $0x38;
	[tilespmem:$0x1FF00] =	vst v63  }
0x4d: {  	s19 =	simm.s32 $0x5;
	s22 =	sadd.s32 $0x60, s16;
	p1 =	por p4, p0  }
0x4e: {  	s20 =	sadd.s32 $0x60, s15;
	s0 =	simm.s32 @!p2 $0x80;
	_ =	swait.ge @!p2 [sflag:s23], $0x100  }
0x4f: {  	p0 =	sle.u32 s8, $0x2;
	s25 =	simm.s32 @!p1 $0x6;
	[sflag:s23] =	ssyncset.done @!p2 $0x0  }
0x50: {  	s26 =	simm.s32 @!p1 $0x7;
	[sflag:s23] =	ssyncadd.s32 @!p2 $0xFFFFFF00;
	s23 =	simm.s32 @!p2 $0x300  }
0x51: {  	[tilespmem:s23], [sflag:$0x4] =	stream.indirect.gather @!p2 [hbm4b:s1+s0], $0x80, s2, s0, $0xb8;
	[tilespmem:$0x1FF00] =	vst v63  }
0x52: {  	s23 =	sadd.s32 $0x60, s12;
	s0 =	simm.s32 @!p1 $0x80;
	_ =	swait.ge @!p1 [sflag:s25], $0x4000  }
0x53: {  	s2 =	simm.s32 @!p1 $0x280;
	p2 =	por $0x0, $0x0;
	[sflag:s25] =	ssyncset.done @!p1 $0x0  }
0x54: {  	p4 =	sle.u32 @!p2 s11, $0x3;
	[sflag:s25] =	ssyncadd.s32 @!p1 $0xFFFFC000;
	s25 =	simm.s32 @!p1 $0x8300  }
0x55: {  	[spmem:s3] =	stream.indirect.scatter.add.f32 @!p1 [tilespmem:s25], [sflag:$0x7], $0x80, s2, s0, $0xb8;
	[tilespmem:$0x1FF00] =	vst v63  }
0x56: {  	p5 =	sle.u32 @!p2 s11, $0x4;
	p6 =	por p4, p2;
	_ =	swait.ge @!p1 [sflag:s26], $0x4000  }
0x57: {  	s2 =	simm.s32 @!p3 $0x80;
	s25 =	simm.s32 $0x4;
	[sflag:s26] =	ssyncset.done @!p1 $0x0  }
0x58: {  	s0 =	simm.s32 @!p0 $0x0;
	[sflag:s26] =	ssyncadd.s32 @!p1 $0xFFFFC000;
	s26 =	smov.u32 s15  }
.LBB2_4:
0x59: {  	p1 =	sge.u32 @!p2 s19, s11  }
0x5a: {  	s6 =	simm.s32 @!p1 $0x0  }
0x5b: {  	s28 =	smov.u32 s19;
	s9 =	smov.u32 s24;
	s6 =	simm.s32 @p1 $0x1  }
0x5c: {  	s19 =	sadd.s32 $0x2, s9;
	[smem:$0x7FB] =	sst s6;
	s6 =	simm.s32 @!p0 $0x200  }
0x5d: {  	[tilespmem:s6], [sflag:$0x3] =	stream.linear.gather @!p0 [hbm4b:s26+s0], $0x100, $0x38;
	[tilespmem:$0x1FF00] =	vst v63  }
0x5e: {  	p0 =	sgt.u32 s19, s8  }
0x5f: {  	s7 =	simm.s32 @!p3 $0x2;
	s24 =	sadd.s32 $0x3, s24;
	s0 =	simm.s32 @!p0 $0x0  }
0x60: {  	_ =	swait.ge @!p3 [sflag:s7], $0x100;
	s0 =	simm.s32 @p0 $0x1;
	p0 =	sne.s32 s24, $0x54  }
0x61: {  	[sflag:s7] =	ssyncset.done @!p3 $0x0;
	[smem:$0x7F9] =	sst s0;
	s0 =	simm.s32 @!p0 $0x0  }
0x62: {  	[sflag:s7] =	ssyncadd.s32 @!p3 $0xFFFFFF00;
	s0 =	simm.s32 @p0 $0x1  }
0x63: {  	[tilespmem:s29], [sflag:$0x5] =	stream.indirect.gather @!p3 [hbm4b:s1+s2], $0x80, s31, s2, $0xb8;
	[tilespmem:$0x1FF00] =	vst v63  }
0x64: {  	[smem:$0x7FC] =	sst s0;
	s0 =	simm.s32 @!p6 $0x4  }
0x65: {  	_ =	swait.ge @!p6 [sflag:s0], $0x4000  }
0x66: {  	s6 =	simm.s32 @!p6 $0x7;
	[sflag:s0] =	ssyncset.done @!p6 $0x0  }
0x67: {  	s2 =	simm.s32 @!p6 $0x300;
	[sflag:s0] =	ssyncadd.s32 @!p6 $0xFFFFC000;
	s0 =	simm.s32 @!p6 $0x80  }
0x68: {  	[spmem:s3] =	stream.indirect.scatter.add.f32 @!p6 [tilespmem:s2], [sflag:$0x7], $0x80, s0, s0, $0xb8;
	[tilespmem:$0x1FF00] =	vst v63  }
0x69: {  	p1 =	sgt.u32 @!p2 s21, s8;
	_ =	swait.ge @!p6 [sflag:s6], $0x4000  }
0x6a: {  	p0 =	sge.u32 s21, s8;
	s21 =	smov.u32 s9;
	s9 =	sld [smem:$0x7FD]  }
0x6b: {  	_ =	sdelay $0x1  }
0x6c: {  	s7 =	sld [smem:$0x7F9];
	p4 =	seq.s32 s9, $0x1  }
0x6d: {  	p3 =	por p4, p4  }
0x6e: {  	s2 =	simm.s32 @!p3 $0x0  }
0x6f: {  	s2 =	simm.s32 @p3 $0x1;
	p3 =	por p5, p5;
	p5 =	seq.s32 s7, $0x1  }
0x70: {  	p1 =	por p1, p2;
	p4 =	por p5, p5  }
0x71: {  	s0 =	simm.s32 @!p1 $0x3;
	[smem:$0x7FA] =	sst s2;
	s2 =	simm.s32 @!p4 $0x0  }
0x72: {  	[sflag:s6] =	ssyncset.done @!p6 $0x0;
	s9 =	sld [smem:$0x7FA];
	s2 =	simm.s32 @p4 $0x1  }
0x73: {  	[sflag:s6] =	ssyncadd.s32 @!p6 $0xFFFFC000;
	[smem:$0x7FD] =	sst s2;
	s2 =	simm.s32 @!p0 $0x0  }
0x74: {  	[tilespmem:s2], [sflag:$0x1] =	stream.linear.gather @!p0 [hbm4b:s23+s2], $0x100, $0x38;
	[tilespmem:$0x1FF00] =	vst v63  }
0x75: {  	s6 =	simm.s32 @!p1 $0x80;
	p5 =	por p3, p2;
	_ =	swait.ge @!p1 [sflag:s0], $0x100  }
0x76: {  	s7 =	simm.s32 @!p5 $0x5;
	p3 =	seq.s32 s9, $0x1;
	[sflag:s0] =	ssyncset.done @!p1 $0x0  }
0x77: {  	s9 =	simm.s32 @!p1 $0x200;
	[sflag:s0] =	ssyncadd.s32 @!p1 $0xFFFFFF00;
	s0 =	simm.s32 @!p1 $0x8300  }
0x78: {  	[tilespmem:s0], [sflag:$0x6] =	stream.indirect.gather @!p1 [hbm4b:s1+s6], $0x80, s9, s6, $0xb8;
	[tilespmem:$0x1FF00] =	vst v63  }
0x79: {  	_ =	swait.ge @!p5 [sflag:s7], $0x4000  }
0x7a: {  	s0 =	simm.s32 @!p5 $0x80;
	s6 =	simm.s32 @!p5 $0x180;
	[sflag:s7] =	ssyncset.done @!p5 $0x0  }
0x7b: {  	s9 =	simm.s32 @!p5 $0x7;
	[sflag:s7] =	ssyncadd.s32 @!p5 $0xFFFFC000;
	s7 =	simm.s32 @!p5 $0x4300  }
0x7c: {  	[spmem:s3] =	stream.indirect.scatter.add.f32 @!p5 [tilespmem:s7], [sflag:$0x7], $0x80, s6, s0, $0xb8;
	[tilespmem:$0x1FF00] =	vst v63  }
0x7d: {  	s30 =	smov.u32 s22;
	p1 =	sge.u32 s25, s8;
	_ =	swait.ge @!p5 [sflag:s9], $0x4000  }
0x7e: {  	s0 =	simm.s32 @!p1 $0x100;
	[sflag:s9] =	ssyncset.done @!p5 $0x0;
	s25 =	sld [smem:$0x7FB]  }
0x7f: {  	s6 =	simm.s32 @!p0 $0x1;
	s7 =	simm.s32 @!p1 $0x0;
	[sflag:s9] =	ssyncadd.s32 @!p5 $0xFFFFC000  }
0x80: {  	[tilespmem:s0], [sflag:$0x2] =	stream.linear.gather @!p1 [hbm4b:s30+s7], $0x100, $0x38;
	[tilespmem:$0x1FF00] =	vst v63  }
0x81: {  	p6 =	seq.s32 s25, $0x1;
	_ =	swait.ge @!p0 [sflag:s6], $0x100  }
0x82: {  	s0 =	simm.s32 @!p0 $0x80;
	p4 =	por p6, p2;
	[sflag:s6] =	ssyncset.done @!p0 $0x0  }
0x83: {  	s7 =	simm.s32 @!p4 $0x6;
	[sflag:s6] =	ssyncadd.s32 @!p0 $0xFFFFFF00;
	s6 =	simm.s32 @!p0 $0x300  }
0x84: {  	[tilespmem:s6], [sflag:$0x4] =	stream.indirect.gather @!p0 [hbm4b:s1+s0], $0x80, s2, s0, $0xb8;
	[tilespmem:$0x1FF00] =	vst v63  }
0x85: {  	_ =	swait.ge @!p4 [sflag:s7], $0x4000  }
0x86: {  	s9 =	simm.s32 @!p4 $0x7;
	s0 =	simm.s32 @!p4 $0x80;
	[sflag:s7] =	ssyncset.done @!p4 $0x0  }
0x87: {  	s6 =	simm.s32 @!p4 $0x280;
	[sflag:s7] =	ssyncadd.s32 @!p4 $0xFFFFC000;
	s7 =	simm.s32 @!p4 $0x8300  }
0x88: {  	[spmem:s3] =	stream.indirect.scatter.add.f32 @!p4 [tilespmem:s7], [sflag:$0x7], $0x80, s6, s0, $0xb8;
	[tilespmem:$0x1FF00] =	vst v63  }
0x89: {  	_ =	swait.ge @!p4 [sflag:s9], $0x4000  }
0x8a: {  	s30 =	sld [smem:$0x7FC]  }
0x8b: {  	p2 =	seq.s32 s21, $0x0  }
0x8c: {  	p1 =	sge.u32 @!p2 s21, s11  }
0x8d: {  	p6 =	por p1, p2;
	p1 =	seq.s32 s30, $0x1  }
.Ltmp1:
0x8e: {  	s22 =	sadd.s32 $0x60, s22;
	(pc) =	sbr.rel @p1 .LBB2_4-.Ltmp1, $4  }
0x8f: {  	s26 =	smov.u32 s20;
	s20 =	sadd.s32 $0x60, s20;
	s23 =	sadd.s32 $0x60, s23  }
0x90: {  	s29 =	simm.s32 @!p3 $0x4300;
	s31 =	simm.s32 @!p3 $0x100;
	s25 =	sadd.s32 $0x1, s21  }
0x91: {  	p5 =	sge.u32 @!p2 s25, s11;
	p0 =	sge.u32 s28, s8;
	[sflag:s9] =	ssyncset.done @!p4 $0x0  }
0x92: {  	s2 =	simm.s32 @!p3 $0x80;
	s0 =	simm.s32 @!p0 $0x0;
	[sflag:s9] =	ssyncadd.s32 @!p4 $0xFFFFC000  }
0x93: {  	s6 =	simm.s32 @!p0 $0x200;
	s7 =	simm.s32 @!p3 $0x2  }
0x94: {  	[tilespmem:s6], [sflag:$0x3] =	stream.linear.gather @!p0 [hbm4b:s26+s0], $0x100, $0x38;
	[tilespmem:$0x1FF00] =	vst v63  }
0x95: {  	_ =	swait.ge @!p3 [sflag:s7], $0x100  }
0x96: {  	[sflag:s7] =	ssyncset.done @!p3 $0x0  }
0x97: {  	s0 =	simm.s32 @!p6 $0x4;
	[sflag:s7] =	ssyncadd.s32 @!p3 $0xFFFFFF00  }
0x98: {  	[tilespmem:s29], [sflag:$0x5] =	stream.indirect.gather @!p3 [hbm4b:s1+s2], $0x80, s31, s2, $0xb8;
	[tilespmem:$0x1FF00] =	vst v63  }
0x99: {  	_ =	swait.ge @!p6 [sflag:s0], $0x4000  }
0x9a: {  	s6 =	simm.s32 @!p6 $0x7;
	[sflag:s0] =	ssyncset.done @!p6 $0x0  }
0x9b: {  	s2 =	simm.s32 @!p6 $0x300;
	[sflag:s0] =	ssyncadd.s32 @!p6 $0xFFFFC000;
	s0 =	simm.s32 @!p6 $0x80  }
0x9c: {  	[spmem:s3] =	stream.indirect.scatter.add.f32 @!p6 [tilespmem:s2], [sflag:$0x7], $0x80, s0, s0, $0xb8;
	[tilespmem:$0x1FF00] =	vst v63  }
0x9d: {  	p1 =	sgt.u32 @!p2 s21, s8;
	_ =	swait.ge @!p6 [sflag:s6], $0x4000  }
0x9e: {  	p0 =	sge.u32 s21, s8;
	p3 =	por p1, p2;
	[sflag:s6] =	ssyncset.done @!p6 $0x0  }
0x9f: {  	s0 =	simm.s32 @!p3 $0x3;
	s2 =	simm.s32 @!p0 $0x0;
	[sflag:s6] =	ssyncadd.s32 @!p6 $0xFFFFC000  }
0xa0: {  	[tilespmem:s2], [sflag:$0x1] =	stream.linear.gather @!p0 [hbm4b:s23+s2], $0x100, $0x38;
	[tilespmem:$0x1FF00] =	vst v63  }
0xa1: {  	p1 =	por p5, p2;
	_ =	swait.ge @!p3 [sflag:s0], $0x100  }
0xa2: {  	s7 =	simm.s32 @!p1 $0x5;
	s9 =	simm.s32 @!p3 $0x200;
	[sflag:s0] =	ssyncset.done @!p3 $0x0  }
0xa3: {  	s6 =	simm.s32 @!p3 $0x80;
	[sflag:s0] =	ssyncadd.s32 @!p3 $0xFFFFFF00;
	s0 =	simm.s32 @!p3 $0x8300  }
0xa4: {  	[tilespmem:s0], [sflag:$0x6] =	stream.indirect.gather @!p3 [hbm4b:s1+s6], $0x80, s9, s6, $0xb8;
	[tilespmem:$0x1FF00] =	vst v63  }
0xa5: {  	_ =	swait.ge @!p1 [sflag:s7], $0x4000  }
0xa6: {  	s0 =	simm.s32 @!p1 $0x80;
	s6 =	simm.s32 @!p1 $0x180;
	[sflag:s7] =	ssyncset.done @!p1 $0x0  }
0xa7: {  	s9 =	simm.s32 @!p1 $0x7;
	[sflag:s7] =	ssyncadd.s32 @!p1 $0xFFFFC000;
	s7 =	simm.s32 @!p1 $0x4300  }
0xa8: {  	[spmem:s3] =	stream.indirect.scatter.add.f32 @!p1 [tilespmem:s7], [sflag:$0x7], $0x80, s6, s0, $0xb8;
	[tilespmem:$0x1FF00] =	vst v63  }
0xa9: {  	p3 =	sge.u32 s25, s8;
	_ =	swait.ge @!p1 [sflag:s9], $0x4000  }
0xaa: {  	s0 =	simm.s32 @!p3 $0x100;
	[sflag:s9] =	ssyncset.done @!p1 $0x0  }
0xab: {  	s6 =	simm.s32 @!p0 $0x1;
	s7 =	simm.s32 @!p3 $0x0;
	[sflag:s9] =	ssyncadd.s32 @!p1 $0xFFFFC000  }
0xac: {  	[tilespmem:s0], [sflag:$0x2] =	stream.linear.gather @!p3 [hbm4b:s22+s7], $0x100, $0x38;
	[tilespmem:$0x1FF00] =	vst v63  }
0xad: {  	p1 =	sge.u32 @!p2 s19, s11;
	_ =	swait.ge @!p0 [sflag:s6], $0x100  }
0xae: {  	p1 =	por p1, p2;
	s0 =	simm.s32 @!p0 $0x80;
	[sflag:s6] =	ssyncset.done @!p0 $0x0  }
0xaf: {  	s7 =	simm.s32 @!p1 $0x6;
	[sflag:s6] =	ssyncadd.s32 @!p0 $0xFFFFFF00;
	s6 =	simm.s32 @!p0 $0x300  }
0xb0: {  	[tilespmem:s6], [sflag:$0x4] =	stream.indirect.gather @!p0 [hbm4b:s1+s0], $0x80, s2, s0, $0xb8;
	[tilespmem:$0x1FF00] =	vst v63  }
0xb1: {  	_ =	swait.ge @!p1 [sflag:s7], $0x4000  }
0xb2: {  	s0 =	simm.s32 @!p1 $0x80;
	s2 =	simm.s32 @!p1 $0x280;
	[sflag:s7] =	ssyncset.done @!p1 $0x0  }
0xb3: {  	s6 =	simm.s32 @!p1 $0x8300;
	[sflag:s7] =	ssyncadd.s32 @!p1 $0xFFFFC000;
	s7 =	simm.s32 @!p1 $0x7  }
0xb4: {  	[spmem:s3] =	stream.indirect.scatter.add.f32 @!p1 [tilespmem:s6], [sflag:$0x7], $0x80, s2, s0, $0xb8;
	[tilespmem:$0x1FF00] =	vst v63  }
0xb5: {  	_ =	swait.ge @!p1 [sflag:s7], $0x4000  }
0xb6: {  	p0 =	sge.u32 s19, s8;
	s29 =	sld [smem:$0x7FD];
	[sflag:s7] =	ssyncset.done @!p1 $0x0  }
0xb7: {  	s0 =	simm.s32 @!p0 $0x0;
	s2 =	simm.s32 @!p0 $0x200;
	[sflag:s7] =	ssyncadd.s32 @!p1 $0xFFFFC000  }
0xb8: {  	[tilespmem:s2], [sflag:$0x3] =	stream.linear.gather @!p0 [hbm4b:s20+s0], $0x100, $0x38;
	[tilespmem:$0x1FF00] =	vst v63  }
0xb9: {  	p6 =	seq.s32 s29, $0x1  }
0xba: {  	p2 =	por p6, p6  }
0xbb: {  	s6 =	simm.s32 @!p2 $0x2  }
0xbc: {  	s30 =	stileid.u32;
	_ =	swait.ge @!p2 [sflag:s6], $0x100  }
0xbd: {  	s4 =	sadd.s32 $0x1, s4;
	s0 =	simm.s32 @!p2 $0x4300;
	[sflag:s6] =	ssyncset.done @!p2 $0x0  }
0xbe: {  	s2 =	simm.s32 @!p2 $0x100;
	s7 =	simm.s32 @!p2 $0x80;
	[sflag:s6] =	ssyncadd.s32 @!p2 $0xFFFFFF00  }
0xbf: {  	[tilespmem:s0], [sflag:$0x5] =	stream.indirect.gather @!p2 [hbm4b:s1+s7], $0x80, s2, s7, $0xb8;
	[tilespmem:$0x1FF00] =	vst v63  }
0xc0: {  	s31 =	sshrl.u32 s5, $0x3;
	p0 =	sne.s32 s4, s14;
	s0 =	sshll.u32 s30, $0x6  }
.Ltmp2:
0xc1: {  	[bflag:$0x0] =	sbarrier.arrive $0xFFFF;
	s0 =	sor.u32 $0x1C07, s0;
	(pc) =	sbr.rel @p0 .LBB2_1-.Ltmp2, $4  }
0xc2: {  	[hbm:s13], [sflag:s0] =	dma.local [spmem:s31], $0x2780  }
0xc3: {  	_ =	swait.ge [sflag:s18], $0x2780  }
0xc4: {  	[sflag:s18] =	ssyncset.done $0x0  }
0xc5: {  	[sflag:s18] =	ssyncadd.s32 $0xFFFFD880  }
0xc6: {  	_ =	sfence.sel $0x180000  }
0xc7: {  	[bflag:$0x0] =	sbarrier.arrive $0xFFFF  }
0xc8: {  	_ =	strace $0x90000047  }
0xc9: {  	s0 =	stileid.u32;
	[bflag:$0x2] =	sbarrier.arrive $0xFFFF  }
0xca: {  	p0 =	sne.s32 s0, $0x0;
	s0 =	rddreg [dreg:$0x4]  }
0xcb: {  	s0 =	sadd.s32 @!p0 $0x100000, s0  }
0xcc: {  	[sflag:s0] =	ssyncadd.tile.s32 @!p0 $0x1;
	_ =	shalt  }
.Lfunc_end2:
_tile_overlayer_lowered:
.L_overlay_start_2:
0xcd: {  	(tag) =	ssettag $0x2  }
0xce: {  	s0 =	rddreg [dreg:$0x0];
	s2 =	stileid.u32  }
0xcf: {  	s1 =	rddreg [dreg:$0x1];
	p0 =	sne.s32 s2, $0x0  }
0xd0: {  	s3 =	rddreg [dreg:$0x2];
	[bflag:$0x3] =	sbarrier.arrive $0xFFFF;
	s2 =	simm.s32 @!p0 $0x1C07  }
0xd1: {  	[timem:s3], [sflag:s2] =	dma.local @!p0 [hbm:s0], s1  }
0xd2: {  	s0 =	simm.s32 @!p0 $0x7  }
0xd3: {  	_ =	swait.ge @!p0 [sflag:s0], s1  }
0xd4: {  	s1 =	ssub.s32 @!p0 $0x0, s1;
	[sflag:s0] =	ssyncset.done @!p0 $0x0  }
0xd5: {  	[sflag:s0] =	ssyncadd.s32 @!p0 s1  }
0xd6: {  	[bflag:$0x3] =	sbarrier.arrive $0xFFFF  }
0xd7: {  	_ =	shalt  }

</sc_bundles>
